<compile_context>
chip_gen: v7x
topology: tpu7x:2x2x1
jax: 0.10.2.dev20260603
libtpu: 0.0.44.dev20260713+nightly
codegen_flags: <defaults>
</compile_context>

<pallas_src>
import functools

import jax
import jax.numpy as jnp
from jax import lax
from jax.experimental import pallas as pl
from jax.experimental.pallas import tpu as pltpu
from jax.experimental.pallas import tpu_sc as plsc

NUM_USERS = 100000
NUM_ITEMS = 100000
EMB_IN = 128
EMB_OUT = 300
BATCH = 16384

_NC = 2
_NS = 16
_NW = _NC * _NS
_BPW = BATCH // _NW
_CHUNK = 128
_NSTREAM = _BPW // _CHUNK
_NUNIT = 2 * _NSTREAM
_RING = 6

_mesh = plsc.VectorSubcoreMesh(core_axis_name="c", subcore_axis_name="s")


@functools.partial(
    pl.kernel,
    mesh=_mesh,
    out_type=[
        jax.ShapeDtypeStruct((BATCH, EMB_IN), jnp.float32),
        jax.ShapeDtypeStruct((BATCH, EMB_IN), jnp.float32),
    ],
    scratch_types=[
        pltpu.VMEM((_BPW,), jnp.int32),
        pltpu.VMEM((_BPW,), jnp.int32),
    ] + [pltpu.VMEM((_CHUNK, EMB_IN), jnp.float32)] * _RING
      + [pltpu.SemaphoreType.DMA] * (2 * _RING),
)
def _sc_gather(ut_hbm, it_hbm, uidx_hbm, iidx_hbm, ue_out, ie_out,
               uidx_v, iidx_v, *rest):
    bufs = rest[:_RING]
    gsems = rest[_RING:2 * _RING]
    ssems = rest[2 * _RING:]
    wid = lax.axis_index("s") * _NC + lax.axis_index("c")
    gbase = wid * _BPW
    pltpu.sync_copy(uidx_hbm.at[pl.ds(gbase, _BPW)], uidx_v)
    pltpu.sync_copy(iidx_hbm.at[pl.ds(gbase, _BPW)], iidx_v)
    units = ([(ut_hbm, uidx_v, ue_out, j) for j in range(_NSTREAM)]
             + [(it_hbm, iidx_v, ie_out, j) for j in range(_NSTREAM)])
    g = [None] * _NUNIT
    s = [None] * _NUNIT
    for k, (tbl, idxv, out, j) in enumerate(units):
        r = k % _RING
        if k >= _RING:
            ptbl, pidxv, pout, pj = units[k - _RING]
            g[k - _RING].wait()
            s[k - _RING] = pltpu.async_copy(
                bufs[r], pout.at[pl.ds(gbase + pj * _CHUNK, _CHUNK)],
                ssems[r])
            s[k - _RING].wait()
        g[k] = pltpu.async_copy(
            tbl.at[idxv.at[pl.ds(j * _CHUNK, _CHUNK)]], bufs[r], gsems[r])
    for k in range(_NUNIT - _RING, _NUNIT):
        r = k % _RING
        tbl, idxv, out, j = units[k]
        g[k].wait()
        s[k] = pltpu.async_copy(
            bufs[r], out.at[pl.ds(gbase + j * _CHUNK, _CHUNK)], ssems[r])
    for k in range(_NUNIT - _RING, _NUNIT):
        s[k].wait()


_BLK = 2048
_NPAD = 384
_EPS = 1e-8
_NT = (((1,), (1,)), ((), ()))


def _tc_body(ue_ref, ie_ref, wt_ref, bt_ref, out_ref):
    ut = jax.lax.dot_general(wt_ref[...], ue_ref[...], _NT,
                             preferred_element_type=jnp.float32)
    vt = jax.lax.dot_general(wt_ref[...], ie_ref[...], _NT,
                             preferred_element_type=jnp.float32)
    bt = bt_ref[...]
    ut = jnp.maximum(ut + bt, 0.0)
    vt = jnp.maximum(vt + bt, 0.0)
    dot = jnp.sum(ut * vt, axis=0)
    nu2 = jnp.sum(ut * ut, axis=0)
    nv2 = jnp.sum(vt * vt, axis=0)
    denom2 = jnp.maximum(nu2, _EPS * _EPS) * jnp.maximum(nv2, _EPS * _EPS)
    out_ref[0, 0, :] = dot * jax.lax.rsqrt(denom2)


_tc_call = pl.pallas_call(
    _tc_body,
    grid=(BATCH // _BLK,),
    in_specs=[
        pl.BlockSpec((_BLK, EMB_IN), lambda i: (i, 0)),
        pl.BlockSpec((_BLK, EMB_IN), lambda i: (i, 0)),
        pl.BlockSpec((_NPAD, EMB_IN), lambda i: (0, 0)),
        pl.BlockSpec((_NPAD, 1), lambda i: (0, 0)),
    ],
    out_specs=pl.BlockSpec((1, 1, _BLK), lambda i: (i, 0, 0)),
    out_shape=jax.ShapeDtypeStruct((BATCH // _BLK, 1, _BLK), jnp.float32),
)


def kernel(user_indices, item_indices, user_table, item_table, W, b):
    uidx = user_indices.astype(jnp.int32)
    iidx = item_indices.astype(jnp.int32)
    w_pad = jnp.pad(W, ((0, 0), (0, _NPAD - EMB_OUT))).T
    b_pad = jnp.pad(b, (0, _NPAD - EMB_OUT)).reshape(_NPAD, 1)
    ue, ie = _sc_gather(user_table, item_table, uidx, iidx)
    return _tc_call(ue, ie, w_pad, b_pad).reshape(BATCH)

# --- scband reference (transcript-rebuilt; emitter-appended) ---
"""Pipeline reference for scband-shallow-embedding-model-32581621908032 (READ-ONLY COPY).

The authoritative reference and input builder live on the scoring server;
editing this copy changes nothing except your own understanding.
"""

import jax, jax.numpy as jnp
import numpy as np

NUM_USERS = 100000
NUM_ITEMS = 100000
EMB_IN = 128
EMB_OUT = 300
BATCH = 16384


def setup_inputs(seed: int = 0) -> dict:
    key = jax.random.key(seed)
    k1, k2, k3, k4, k5, k6 = jax.random.split(key, 6)
    user_indices = jax.random.randint(k1, (BATCH,), 0, NUM_USERS, dtype=jnp.int64 if jax.config.jax_enable_x64 else jnp.int32)
    item_indices = jax.random.randint(k2, (BATCH,), 0, NUM_ITEMS, dtype=jnp.int64 if jax.config.jax_enable_x64 else jnp.int32)
    user_table = jax.random.normal(k3, (NUM_USERS, EMB_IN), dtype=jnp.float32)
    item_table = jax.random.normal(k4, (NUM_ITEMS, EMB_IN), dtype=jnp.float32)
    bound = 1.0 / np.sqrt(EMB_IN)
    W = jax.random.uniform(k5, (EMB_IN, EMB_OUT), dtype=jnp.float32, minval=-bound, maxval=bound)
    b = jax.random.uniform(k6, (EMB_OUT,), dtype=jnp.float32, minval=-bound, maxval=bound)
    return {"user_indices": user_indices, "item_indices": item_indices, "user_table": user_table, "item_table": item_table, "W": W, "b": b}


def reference(user_indices, item_indices, user_table, item_table, W, b):
    # embedding lookups (gather)
    user_embeds = jnp.take(user_table, user_indices, axis=0)
    item_embeds = jnp.take(item_table, item_indices, axis=0)
    # shared MLP: Linear + ReLU
    user_embeds = jax.nn.relu(user_embeds @ W + b)
    item_embeds = jax.nn.relu(item_embeds @ W + b)
    # cosine similarity along dim=1 (torch eps=1e-8)
    eps = 1e-8
    un = jnp.maximum(jnp.linalg.norm(user_embeds, axis=1), eps)
    inorm = jnp.maximum(jnp.linalg.norm(item_embeds, axis=1), eps)
    scores = jnp.sum(user_embeds * item_embeds, axis=1) / (un * inorm)
    return scores

if __name__ == "__main__":
    import jax
    _d = setup_inputs()
    print(jax.jit(kernel)(*tuple(_d.values())))

</pallas_src>

<mosaic_0001>
#map = affine_map<(d0, d1) -> (0, 0)>
#map1 = affine_map<(d0, d1) -> (0)>
module attributes {stable_mosaic.version = 14 : i64} {
  func.func @_sc_gather(%arg0: i32, %arg1: i32, %arg2: memref<100000x128xf32, #tpu.memory_space<hbm>>, %arg3: memref<100000x128xf32, #tpu.memory_space<hbm>>, %arg4: memref<16384xi32, #tpu.memory_space<hbm>>, %arg5: memref<16384xi32, #tpu.memory_space<hbm>>, %arg6: memref<16384x128xf32, #tpu.memory_space<hbm>>, %arg7: memref<16384x128xf32, #tpu.memory_space<hbm>>, %arg8: memref<512xi32, #tpu.memory_space<vmem>>, %arg9: memref<512xi32, #tpu.memory_space<vmem>>, %arg10: memref<128x128xf32, #tpu.memory_space<vmem>>, %arg11: memref<128x128xf32, #tpu.memory_space<vmem>>, %arg12: memref<128x128xf32, #tpu.memory_space<vmem>>, %arg13: memref<128x128xf32, #tpu.memory_space<vmem>>, %arg14: memref<128x128xf32, #tpu.memory_space<vmem>>, %arg15: memref<128x128xf32, #tpu.memory_space<vmem>>, %arg16: memref<!tpu.dma_semaphore, #tpu.memory_space<semaphore_mem>>, %arg17: memref<!tpu.dma_semaphore, #tpu.memory_space<semaphore_mem>>, %arg18: memref<!tpu.dma_semaphore, #tpu.memory_space<semaphore_mem>>, %arg19: memref<!tpu.dma_semaphore, #tpu.memory_space<semaphore_mem>>, %arg20: memref<!tpu.dma_semaphore, #tpu.memory_space<semaphore_mem>>, %arg21: memref<!tpu.dma_semaphore, #tpu.memory_space<semaphore_mem>>, %arg22: memref<!tpu.dma_semaphore, #tpu.memory_space<semaphore_mem>>, %arg23: memref<!tpu.dma_semaphore, #tpu.memory_space<semaphore_mem>>, %arg24: memref<!tpu.dma_semaphore, #tpu.memory_space<semaphore_mem>>, %arg25: memref<!tpu.dma_semaphore, #tpu.memory_space<semaphore_mem>>, %arg26: memref<!tpu.dma_semaphore, #tpu.memory_space<semaphore_mem>>, %arg27: memref<!tpu.dma_semaphore, #tpu.memory_space<semaphore_mem>>) attributes {dimension_semantics = [#tpu.dimension_semantics<core_parallel>, #tpu.dimension_semantics<subcore_parallel>], iteration_bounds = array<i64: 2, 16>, scalar_prefetch = 0 : i64, scratch_operands = 20 : i64, tpu.core_type = #tpu.core_type<sc_vector_subcore>, window_params = [{transform_indices = #map}, {transform_indices = #map}, {transform_indices = #map1}, {transform_indices = #map1}, {transform_indices = #map}, {transform_indices = #map}]} {
    %mul3A = arith.constant 2 : i32
    %mul3A_0 = arith.muli %arg1, %mul3A : i32
    %add3A = arith.addi %mul3A_0, %arg0 : i32
    %mul3A_1 = arith.constant 512 : i32
    %mul3A_2 = arith.muli %add3A, %mul3A_1 : i32
    "tpu.region"() ({
      %run_scoped3A = tpu.sem_alloc : memref<!tpu.dma_semaphore, #tpu.memory_space<semaphore_mem>>
      %dma_start3A_161 = tpu.memref_slice %arg4[%mul3A_2] : memref<16384xi32, #tpu.memory_space<hbm>> -> memref<512xi32, #tpu.memory_space<hbm>>
      %dma_start3A_162 = tpu.memref_slice %arg4[%mul3A_2] : memref<16384xi32, #tpu.memory_space<hbm>> -> memref<512xi32, #tpu.memory_space<hbm>>
      tpu.enqueue_dma source(%dma_start3A_162 : memref<512xi32, #tpu.memory_space<hbm>>) target(%arg8 : memref<512xi32, #tpu.memory_space<vmem>>) target_semaphore(%run_scoped3A : memref<!tpu.dma_semaphore, #tpu.memory_space<semaphore_mem>>)
      %dma_wait3A_163 = tpu.memref_slice %arg4[%mul3A_2] : memref<16384xi32, #tpu.memory_space<hbm>> -> memref<512xi32, #tpu.memory_space<hbm>>
      %dma_wait3A_164 = tpu.memref_slice %arg4[%mul3A_2] : memref<16384xi32, #tpu.memory_space<hbm>> -> memref<512xi32, #tpu.memory_space<hbm>>
      tpu.wait_dma2 semaphore(%run_scoped3A : memref<!tpu.dma_semaphore, #tpu.memory_space<semaphore_mem>>) src(%dma_wait3A_164 : memref<512xi32, #tpu.memory_space<hbm>>) dst(%arg8 : memref<512xi32, #tpu.memory_space<vmem>>)
      tpu.yield
    }) : () -> ()
    "tpu.region"() ({
      %run_scoped3A = tpu.sem_alloc : memref<!tpu.dma_semaphore, #tpu.memory_space<semaphore_mem>>
      %dma_start3A_161 = tpu.memref_slice %arg5[%mul3A_2] : memref<16384xi32, #tpu.memory_space<hbm>> -> memref<512xi32, #tpu.memory_space<hbm>>
      %dma_start3A_162 = tpu.memref_slice %arg5[%mul3A_2] : memref<16384xi32, #tpu.memory_space<hbm>> -> memref<512xi32, #tpu.memory_space<hbm>>
      tpu.enqueue_dma source(%dma_start3A_162 : memref<512xi32, #tpu.memory_space<hbm>>) target(%arg9 : memref<512xi32, #tpu.memory_space<vmem>>) target_semaphore(%run_scoped3A : memref<!tpu.dma_semaphore, #tpu.memory_space<semaphore_mem>>)
      %dma_wait3A_163 = tpu.memref_slice %arg5[%mul3A_2] : memref<16384xi32, #tpu.memory_space<hbm>> -> memref<512xi32, #tpu.memory_space<hbm>>
      %dma_wait3A_164 = tpu.memref_slice %arg5[%mul3A_2] : memref<16384xi32, #tpu.memory_space<hbm>> -> memref<512xi32, #tpu.memory_space<hbm>>
      tpu.wait_dma2 semaphore(%run_scoped3A : memref<!tpu.dma_semaphore, #tpu.memory_space<semaphore_mem>>) src(%dma_wait3A_164 : memref<512xi32, #tpu.memory_space<hbm>>) dst(%arg9 : memref<512xi32, #tpu.memory_space<vmem>>)
      tpu.yield
    }) : () -> ()
    %dma_start3A = arith.constant 0 : i32
    %dma_start3A_3 = tpu.memref_slice %arg8[%dma_start3A] : memref<512xi32, #tpu.memory_space<vmem>> -> memref<128xi32, #tpu.memory_space<vmem>>
    %dma_start3A_4 = arith.constant 0 : i32
    %dma_start3A_5 = arith.constant 0 : i32
    %dma_start3A_6 = tpu.memref_slice %arg2[%dma_start3A_4, %dma_start3A_5] : memref<100000x128xf32, #tpu.memory_space<hbm>> -> memref<100000x128xf32, #tpu.memory_space<hbm>>
    tpu.enqueue_indirect_dma source(%dma_start3A_6 : memref<100000x128xf32, #tpu.memory_space<hbm>>) target(%arg10 : memref<128x128xf32, #tpu.memory_space<vmem>>) offsets(%dma_start3A_3 : memref<128xi32, #tpu.memory_space<vmem>>) semaphore(%arg16 : memref<!tpu.dma_semaphore, #tpu.memory_space<semaphore_mem>>)
    %dma_start3A_7 = arith.constant 128 : i32
    %dma_start3A_8 = tpu.memref_slice %arg8[%dma_start3A_7] : memref<512xi32, #tpu.memory_space<vmem>> -> memref<128xi32, #tpu.memory_space<vmem>>
    %dma_start3A_9 = arith.constant 0 : i32
    %dma_start3A_10 = arith.constant 0 : i32
    %dma_start3A_11 = tpu.memref_slice %arg2[%dma_start3A_9, %dma_start3A_10] : memref<100000x128xf32, #tpu.memory_space<hbm>> -> memref<100000x128xf32, #tpu.memory_space<hbm>>
    tpu.enqueue_indirect_dma source(%dma_start3A_11 : memref<100000x128xf32, #tpu.memory_space<hbm>>) target(%arg11 : memref<128x128xf32, #tpu.memory_space<vmem>>) offsets(%dma_start3A_8 : memref<128xi32, #tpu.memory_space<vmem>>) semaphore(%arg17 : memref<!tpu.dma_semaphore, #tpu.memory_space<semaphore_mem>>)
    %dma_start3A_12 = arith.constant 256 : i32
    %dma_start3A_13 = tpu.memref_slice %arg8[%dma_start3A_12] : memref<512xi32, #tpu.memory_space<vmem>> -> memref<128xi32, #tpu.memory_space<vmem>>
    %dma_start3A_14 = arith.constant 0 : i32
    %dma_start3A_15 = arith.constant 0 : i32
    %dma_start3A_16 = tpu.memref_slice %arg2[%dma_start3A_14, %dma_start3A_15] : memref<100000x128xf32, #tpu.memory_space<hbm>> -> memref<100000x128xf32, #tpu.memory_space<hbm>>
    tpu.enqueue_indirect_dma source(%dma_start3A_16 : memref<100000x128xf32, #tpu.memory_space<hbm>>) target(%arg12 : memref<128x128xf32, #tpu.memory_space<vmem>>) offsets(%dma_start3A_13 : memref<128xi32, #tpu.memory_space<vmem>>) semaphore(%arg18 : memref<!tpu.dma_semaphore, #tpu.memory_space<semaphore_mem>>)
    %dma_start3A_17 = arith.constant 384 : i32
    %dma_start3A_18 = tpu.memref_slice %arg8[%dma_start3A_17] : memref<512xi32, #tpu.memory_space<vmem>> -> memref<128xi32, #tpu.memory_space<vmem>>
    %dma_start3A_19 = arith.constant 0 : i32
    %dma_start3A_20 = arith.constant 0 : i32
    %dma_start3A_21 = tpu.memref_slice %arg2[%dma_start3A_19, %dma_start3A_20] : memref<100000x128xf32, #tpu.memory_space<hbm>> -> memref<100000x128xf32, #tpu.memory_space<hbm>>
    tpu.enqueue_indirect_dma source(%dma_start3A_21 : memref<100000x128xf32, #tpu.memory_space<hbm>>) target(%arg13 : memref<128x128xf32, #tpu.memory_space<vmem>>) offsets(%dma_start3A_18 : memref<128xi32, #tpu.memory_space<vmem>>) semaphore(%arg19 : memref<!tpu.dma_semaphore, #tpu.memory_space<semaphore_mem>>)
    %dma_start3A_22 = arith.constant 0 : i32
    %dma_start3A_23 = tpu.memref_slice %arg9[%dma_start3A_22] : memref<512xi32, #tpu.memory_space<vmem>> -> memref<128xi32, #tpu.memory_space<vmem>>
    %dma_start3A_24 = arith.constant 0 : i32
    %dma_start3A_25 = arith.constant 0 : i32
    %dma_start3A_26 = tpu.memref_slice %arg3[%dma_start3A_24, %dma_start3A_25] : memref<100000x128xf32, #tpu.memory_space<hbm>> -> memref<100000x128xf32, #tpu.memory_space<hbm>>
    tpu.enqueue_indirect_dma source(%dma_start3A_26 : memref<100000x128xf32, #tpu.memory_space<hbm>>) target(%arg14 : memref<128x128xf32, #tpu.memory_space<vmem>>) offsets(%dma_start3A_23 : memref<128xi32, #tpu.memory_space<vmem>>) semaphore(%arg20 : memref<!tpu.dma_semaphore, #tpu.memory_space<semaphore_mem>>)
    %dma_start3A_27 = arith.constant 128 : i32
    %dma_start3A_28 = tpu.memref_slice %arg9[%dma_start3A_27] : memref<512xi32, #tpu.memory_space<vmem>> -> memref<128xi32, #tpu.memory_space<vmem>>
    %dma_start3A_29 = arith.constant 0 : i32
    %dma_start3A_30 = arith.constant 0 : i32
    %dma_start3A_31 = tpu.memref_slice %arg3[%dma_start3A_29, %dma_start3A_30] : memref<100000x128xf32, #tpu.memory_space<hbm>> -> memref<100000x128xf32, #tpu.memory_space<hbm>>
    tpu.enqueue_indirect_dma source(%dma_start3A_31 : memref<100000x128xf32, #tpu.memory_space<hbm>>) target(%arg15 : memref<128x128xf32, #tpu.memory_space<vmem>>) offsets(%dma_start3A_28 : memref<128xi32, #tpu.memory_space<vmem>>) semaphore(%arg21 : memref<!tpu.dma_semaphore, #tpu.memory_space<semaphore_mem>>)
    %dma_wait3A = arith.constant 0 : i32
    %dma_wait3A_32 = tpu.memref_slice %arg8[%dma_wait3A] : memref<512xi32, #tpu.memory_space<vmem>> -> memref<128xi32, #tpu.memory_space<vmem>>
    %dma_wait3A_33 = arith.constant 0 : i32
    %dma_wait3A_34 = arith.constant 0 : i32
    %dma_wait3A_35 = tpu.memref_slice %arg2[%dma_wait3A_33, %dma_wait3A_34] : memref<100000x128xf32, #tpu.memory_space<hbm>> -> memref<100000x128xf32, #tpu.memory_space<hbm>>
    tpu.wait_indirect_dma semaphore(%arg16 : memref<!tpu.dma_semaphore, #tpu.memory_space<semaphore_mem>>) src(%dma_wait3A_35 : memref<100000x128xf32, #tpu.memory_space<hbm>>) dst(%arg10 : memref<128x128xf32, #tpu.memory_space<vmem>>)
    %add3A_36 = arith.constant 0 : i32
    %add3A_37 = arith.addi %mul3A_2, %add3A_36 : i32
    %dma_start3A_38 = arith.constant 0 : i32
    %dma_start3A_39 = tpu.memref_slice %arg6[%add3A_37, %dma_start3A_38] : memref<16384x128xf32, #tpu.memory_space<hbm>> -> memref<128x128xf32, #tpu.memory_space<hbm>>
    %dma_start3A_40 = arith.constant 0 : i32
    %dma_start3A_41 = tpu.memref_slice %arg6[%add3A_37, %dma_start3A_40] : memref<16384x128xf32, #tpu.memory_space<hbm>> -> memref<128x128xf32, #tpu.memory_space<hbm>>
    tpu.enqueue_dma source(%arg10 : memref<128x128xf32, #tpu.memory_space<vmem>>) target(%dma_start3A_41 : memref<128x128xf32, #tpu.memory_space<hbm>>) target_semaphore(%arg22 : memref<!tpu.dma_semaphore, #tpu.memory_space<semaphore_mem>>)
    %dma_wait3A_42 = arith.constant 0 : i32
    %dma_wait3A_43 = tpu.memref_slice %arg6[%add3A_37, %dma_wait3A_42] : memref<16384x128xf32, #tpu.memory_space<hbm>> -> memref<128x128xf32, #tpu.memory_space<hbm>>
    %dma_wait3A_44 = arith.constant 0 : i32
    %dma_wait3A_45 = tpu.memref_slice %arg6[%add3A_37, %dma_wait3A_44] : memref<16384x128xf32, #tpu.memory_space<hbm>> -> memref<128x128xf32, #tpu.memory_space<hbm>>
    tpu.wait_dma2 semaphore(%arg22 : memref<!tpu.dma_semaphore, #tpu.memory_space<semaphore_mem>>) src(%arg10 : memref<128x128xf32, #tpu.memory_space<vmem>>) dst(%dma_wait3A_45 : memref<128x128xf32, #tpu.memory_space<hbm>>)
    %dma_start3A_46 = arith.constant 256 : i32
    %dma_start3A_47 = tpu.memref_slice %arg9[%dma_start3A_46] : memref<512xi32, #tpu.memory_space<vmem>> -> memref<128xi32, #tpu.memory_space<vmem>>
    %dma_start3A_48 = arith.constant 0 : i32
    %dma_start3A_49 = arith.constant 0 : i32
    %dma_start3A_50 = tpu.memref_slice %arg3[%dma_start3A_48, %dma_start3A_49] : memref<100000x128xf32, #tpu.memory_space<hbm>> -> memref<100000x128xf32, #tpu.memory_space<hbm>>
    tpu.enqueue_indirect_dma source(%dma_start3A_50 : memref<100000x128xf32, #tpu.memory_space<hbm>>) target(%arg10 : memref<128x128xf32, #tpu.memory_space<vmem>>) offsets(%dma_start3A_47 : memref<128xi32, #tpu.memory_space<vmem>>) semaphore(%arg16 : memref<!tpu.dma_semaphore, #tpu.memory_space<semaphore_mem>>)
    %dma_wait3A_51 = arith.constant 128 : i32
    %dma_wait3A_52 = tpu.memref_slice %arg8[%dma_wait3A_51] : memref<512xi32, #tpu.memory_space<vmem>> -> memref<128xi32, #tpu.memory_space<vmem>>
    %dma_wait3A_53 = arith.constant 0 : i32
    %dma_wait3A_54 = arith.constant 0 : i32
    %dma_wait3A_55 = tpu.memref_slice %arg2[%dma_wait3A_53, %dma_wait3A_54] : memref<100000x128xf32, #tpu.memory_space<hbm>> -> memref<100000x128xf32, #tpu.memory_space<hbm>>
    tpu.wait_indirect_dma semaphore(%arg17 : memref<!tpu.dma_semaphore, #tpu.memory_space<semaphore_mem>>) src(%dma_wait3A_55 : memref<100000x128xf32, #tpu.memory_space<hbm>>) dst(%arg11 : memref<128x128xf32, #tpu.memory_space<vmem>>)
    %add3A_56 = arith.constant 128 : i32
    %add3A_57 = arith.addi %mul3A_2, %add3A_56 : i32
    %dma_start3A_58 = arith.constant 0 : i32
    %dma_start3A_59 = tpu.memref_slice %arg6[%add3A_57, %dma_start3A_58] : memref<16384x128xf32, #tpu.memory_space<hbm>> -> memref<128x128xf32, #tpu.memory_space<hbm>>
    %dma_start3A_60 = arith.constant 0 : i32
    %dma_start3A_61 = tpu.memref_slice %arg6[%add3A_57, %dma_start3A_60] : memref<16384x128xf32, #tpu.memory_space<hbm>> -> memref<128x128xf32, #tpu.memory_space<hbm>>
    tpu.enqueue_dma source(%arg11 : memref<128x128xf32, #tpu.memory_space<vmem>>) target(%dma_start3A_61 : memref<128x128xf32, #tpu.memory_space<hbm>>) target_semaphore(%arg23 : memref<!tpu.dma_semaphore, #tpu.memory_space<semaphore_mem>>)
    %dma_wait3A_62 = arith.constant 0 : i32
    %dma_wait3A_63 = tpu.memref_slice %arg6[%add3A_57, %dma_wait3A_62] : memref<16384x128xf32, #tpu.memory_space<hbm>> -> memref<128x128xf32, #tpu.memory_space<hbm>>
    %dma_wait3A_64 = arith.constant 0 : i32
    %dma_wait3A_65 = tpu.memref_slice %arg6[%add3A_57, %dma_wait3A_64] : memref<16384x128xf32, #tpu.memory_space<hbm>> -> memref<128x128xf32, #tpu.memory_space<hbm>>
    tpu.wait_dma2 semaphore(%arg23 : memref<!tpu.dma_semaphore, #tpu.memory_space<semaphore_mem>>) src(%arg11 : memref<128x128xf32, #tpu.memory_space<vmem>>) dst(%dma_wait3A_65 : memref<128x128xf32, #tpu.memory_space<hbm>>)
    %dma_start3A_66 = arith.constant 384 : i32
    %dma_start3A_67 = tpu.memref_slice %arg9[%dma_start3A_66] : memref<512xi32, #tpu.memory_space<vmem>> -> memref<128xi32, #tpu.memory_space<vmem>>
    %dma_start3A_68 = arith.constant 0 : i32
    %dma_start3A_69 = arith.constant 0 : i32
    %dma_start3A_70 = tpu.memref_slice %arg3[%dma_start3A_68, %dma_start3A_69] : memref<100000x128xf32, #tpu.memory_space<hbm>> -> memref<100000x128xf32, #tpu.memory_space<hbm>>
    tpu.enqueue_indirect_dma source(%dma_start3A_70 : memref<100000x128xf32, #tpu.memory_space<hbm>>) target(%arg11 : memref<128x128xf32, #tpu.memory_space<vmem>>) offsets(%dma_start3A_67 : memref<128xi32, #tpu.memory_space<vmem>>) semaphore(%arg17 : memref<!tpu.dma_semaphore, #tpu.memory_space<semaphore_mem>>)
    %dma_wait3A_71 = arith.constant 256 : i32
    %dma_wait3A_72 = tpu.memref_slice %arg8[%dma_wait3A_71] : memref<512xi32, #tpu.memory_space<vmem>> -> memref<128xi32, #tpu.memory_space<vmem>>
    %dma_wait3A_73 = arith.constant 0 : i32
    %dma_wait3A_74 = arith.constant 0 : i32
    %dma_wait3A_75 = tpu.memref_slice %arg2[%dma_wait3A_73, %dma_wait3A_74] : memref<100000x128xf32, #tpu.memory_space<hbm>> -> memref<100000x128xf32, #tpu.memory_space<hbm>>
    tpu.wait_indirect_dma semaphore(%arg18 : memref<!tpu.dma_semaphore, #tpu.memory_space<semaphore_mem>>) src(%dma_wait3A_75 : memref<100000x128xf32, #tpu.memory_space<hbm>>) dst(%arg12 : memref<128x128xf32, #tpu.memory_space<vmem>>)
    %add3A_76 = arith.constant 256 : i32
    %add3A_77 = arith.addi %mul3A_2, %add3A_76 : i32
    %dma_start3A_78 = arith.constant 0 : i32
    %dma_start3A_79 = tpu.memref_slice %arg6[%add3A_77, %dma_start3A_78] : memref<16384x128xf32, #tpu.memory_space<hbm>> -> memref<128x128xf32, #tpu.memory_space<hbm>>
    %dma_start3A_80 = arith.constant 0 : i32
    %dma_start3A_81 = tpu.memref_slice %arg6[%add3A_77, %dma_start3A_80] : memref<16384x128xf32, #tpu.memory_space<hbm>> -> memref<128x128xf32, #tpu.memory_space<hbm>>
    tpu.enqueue_dma source(%arg12 : memref<128x128xf32, #tpu.memory_space<vmem>>) target(%dma_start3A_81 : memref<128x128xf32, #tpu.memory_space<hbm>>) target_semaphore(%arg24 : memref<!tpu.dma_semaphore, #tpu.memory_space<semaphore_mem>>)
    %dma_wait3A_82 = arith.constant 384 : i32
    %dma_wait3A_83 = tpu.memref_slice %arg8[%dma_wait3A_82] : memref<512xi32, #tpu.memory_space<vmem>> -> memref<128xi32, #tpu.memory_space<vmem>>
    %dma_wait3A_84 = arith.constant 0 : i32
    %dma_wait3A_85 = arith.constant 0 : i32
    %dma_wait3A_86 = tpu.memref_slice %arg2[%dma_wait3A_84, %dma_wait3A_85] : memref<100000x128xf32, #tpu.memory_space<hbm>> -> memref<100000x128xf32, #tpu.memory_space<hbm>>
    tpu.wait_indirect_dma semaphore(%arg19 : memref<!tpu.dma_semaphore, #tpu.memory_space<semaphore_mem>>) src(%dma_wait3A_86 : memref<100000x128xf32, #tpu.memory_space<hbm>>) dst(%arg13 : memref<128x128xf32, #tpu.memory_space<vmem>>)
    %add3A_87 = arith.constant 384 : i32
    %add3A_88 = arith.addi %mul3A_2, %add3A_87 : i32
    %dma_start3A_89 = arith.constant 0 : i32
    %dma_start3A_90 = tpu.memref_slice %arg6[%add3A_88, %dma_start3A_89] : memref<16384x128xf32, #tpu.memory_space<hbm>> -> memref<128x128xf32, #tpu.memory_space<hbm>>
    %dma_start3A_91 = arith.constant 0 : i32
    %dma_start3A_92 = tpu.memref_slice %arg6[%add3A_88, %dma_start3A_91] : memref<16384x128xf32, #tpu.memory_space<hbm>> -> memref<128x128xf32, #tpu.memory_space<hbm>>
    tpu.enqueue_dma source(%arg13 : memref<128x128xf32, #tpu.memory_space<vmem>>) target(%dma_start3A_92 : memref<128x128xf32, #tpu.memory_space<hbm>>) target_semaphore(%arg25 : memref<!tpu.dma_semaphore, #tpu.memory_space<semaphore_mem>>)
    %dma_wait3A_93 = arith.constant 0 : i32
    %dma_wait3A_94 = tpu.memref_slice %arg9[%dma_wait3A_93] : memref<512xi32, #tpu.memory_space<vmem>> -> memref<128xi32, #tpu.memory_space<vmem>>
    %dma_wait3A_95 = arith.constant 0 : i32
    %dma_wait3A_96 = arith.constant 0 : i32
    %dma_wait3A_97 = tpu.memref_slice %arg3[%dma_wait3A_95, %dma_wait3A_96] : memref<100000x128xf32, #tpu.memory_space<hbm>> -> memref<100000x128xf32, #tpu.memory_space<hbm>>
    tpu.wait_indirect_dma semaphore(%arg20 : memref<!tpu.dma_semaphore, #tpu.memory_space<semaphore_mem>>) src(%dma_wait3A_97 : memref<100000x128xf32, #tpu.memory_space<hbm>>) dst(%arg14 : memref<128x128xf32, #tpu.memory_space<vmem>>)
    %add3A_98 = arith.constant 0 : i32
    %add3A_99 = arith.addi %mul3A_2, %add3A_98 : i32
    %dma_start3A_100 = arith.constant 0 : i32
    %dma_start3A_101 = tpu.memref_slice %arg7[%add3A_99, %dma_start3A_100] : memref<16384x128xf32, #tpu.memory_space<hbm>> -> memref<128x128xf32, #tpu.memory_space<hbm>>
    %dma_start3A_102 = arith.constant 0 : i32
    %dma_start3A_103 = tpu.memref_slice %arg7[%add3A_99, %dma_start3A_102] : memref<16384x128xf32, #tpu.memory_space<hbm>> -> memref<128x128xf32, #tpu.memory_space<hbm>>
    tpu.enqueue_dma source(%arg14 : memref<128x128xf32, #tpu.memory_space<vmem>>) target(%dma_start3A_103 : memref<128x128xf32, #tpu.memory_space<hbm>>) target_semaphore(%arg26 : memref<!tpu.dma_semaphore, #tpu.memory_space<semaphore_mem>>)
    %dma_wait3A_104 = arith.constant 128 : i32
    %dma_wait3A_105 = tpu.memref_slice %arg9[%dma_wait3A_104] : memref<512xi32, #tpu.memory_space<vmem>> -> memref<128xi32, #tpu.memory_space<vmem>>
    %dma_wait3A_106 = arith.constant 0 : i32
    %dma_wait3A_107 = arith.constant 0 : i32
    %dma_wait3A_108 = tpu.memref_slice %arg3[%dma_wait3A_106, %dma_wait3A_107] : memref<100000x128xf32, #tpu.memory_space<hbm>> -> memref<100000x128xf32, #tpu.memory_space<hbm>>
    tpu.wait_indirect_dma semaphore(%arg21 : memref<!tpu.dma_semaphore, #tpu.memory_space<semaphore_mem>>) src(%dma_wait3A_108 : memref<100000x128xf32, #tpu.memory_space<hbm>>) dst(%arg15 : memref<128x128xf32, #tpu.memory_space<vmem>>)
    %add3A_109 = arith.constant 128 : i32
    %add3A_110 = arith.addi %mul3A_2, %add3A_109 : i32
    %dma_start3A_111 = arith.constant 0 : i32
    %dma_start3A_112 = tpu.memref_slice %arg7[%add3A_110, %dma_start3A_111] : memref<16384x128xf32, #tpu.memory_space<hbm>> -> memref<128x128xf32, #tpu.memory_space<hbm>>
    %dma_start3A_113 = arith.constant 0 : i32
    %dma_start3A_114 = tpu.memref_slice %arg7[%add3A_110, %dma_start3A_113] : memref<16384x128xf32, #tpu.memory_space<hbm>> -> memref<128x128xf32, #tpu.memory_space<hbm>>
    tpu.enqueue_dma source(%arg15 : memref<128x128xf32, #tpu.memory_space<vmem>>) target(%dma_start3A_114 : memref<128x128xf32, #tpu.memory_space<hbm>>) target_semaphore(%arg27 : memref<!tpu.dma_semaphore, #tpu.memory_space<semaphore_mem>>)
    %dma_wait3A_115 = arith.constant 256 : i32
    %dma_wait3A_116 = tpu.memref_slice %arg9[%dma_wait3A_115] : memref<512xi32, #tpu.memory_space<vmem>> -> memref<128xi32, #tpu.memory_space<vmem>>
    %dma_wait3A_117 = arith.constant 0 : i32
    %dma_wait3A_118 = arith.constant 0 : i32
    %dma_wait3A_119 = tpu.memref_slice %arg3[%dma_wait3A_117, %dma_wait3A_118] : memref<100000x128xf32, #tpu.memory_space<hbm>> -> memref<100000x128xf32, #tpu.memory_space<hbm>>
    tpu.wait_indirect_dma semaphore(%arg16 : memref<!tpu.dma_semaphore, #tpu.memory_space<semaphore_mem>>) src(%dma_wait3A_119 : memref<100000x128xf32, #tpu.memory_space<hbm>>) dst(%arg10 : memref<128x128xf32, #tpu.memory_space<vmem>>)
    %add3A_120 = arith.constant 256 : i32
    %add3A_121 = arith.addi %mul3A_2, %add3A_120 : i32
    %dma_start3A_122 = arith.constant 0 : i32
    %dma_start3A_123 = tpu.memref_slice %arg7[%add3A_121, %dma_start3A_122] : memref<16384x128xf32, #tpu.memory_space<hbm>> -> memref<128x128xf32, #tpu.memory_space<hbm>>
    %dma_start3A_124 = arith.constant 0 : i32
    %dma_start3A_125 = tpu.memref_slice %arg7[%add3A_121, %dma_start3A_124] : memref<16384x128xf32, #tpu.memory_space<hbm>> -> memref<128x128xf32, #tpu.memory_space<hbm>>
    tpu.enqueue_dma source(%arg10 : memref<128x128xf32, #tpu.memory_space<vmem>>) target(%dma_start3A_125 : memref<128x128xf32, #tpu.memory_space<hbm>>) target_semaphore(%arg22 : memref<!tpu.dma_semaphore, #tpu.memory_space<semaphore_mem>>)
    %dma_wait3A_126 = arith.constant 384 : i32
    %dma_wait3A_127 = tpu.memref_slice %arg9[%dma_wait3A_126] : memref<512xi32, #tpu.memory_space<vmem>> -> memref<128xi32, #tpu.memory_space<vmem>>
    %dma_wait3A_128 = arith.constant 0 : i32
    %dma_wait3A_129 = arith.constant 0 : i32
    %dma_wait3A_130 = tpu.memref_slice %arg3[%dma_wait3A_128, %dma_wait3A_129] : memref<100000x128xf32, #tpu.memory_space<hbm>> -> memref<100000x128xf32, #tpu.memory_space<hbm>>
    tpu.wait_indirect_dma semaphore(%arg17 : memref<!tpu.dma_semaphore, #tpu.memory_space<semaphore_mem>>) src(%dma_wait3A_130 : memref<100000x128xf32, #tpu.memory_space<hbm>>) dst(%arg11 : memref<128x128xf32, #tpu.memory_space<vmem>>)
    %add3A_131 = arith.constant 384 : i32
    %add3A_132 = arith.addi %mul3A_2, %add3A_131 : i32
    %dma_start3A_133 = arith.constant 0 : i32
    %dma_start3A_134 = tpu.memref_slice %arg7[%add3A_132, %dma_start3A_133] : memref<16384x128xf32, #tpu.memory_space<hbm>> -> memref<128x128xf32, #tpu.memory_space<hbm>>
    %dma_start3A_135 = arith.constant 0 : i32
    %dma_start3A_136 = tpu.memref_slice %arg7[%add3A_132, %dma_start3A_135] : memref<16384x128xf32, #tpu.memory_space<hbm>> -> memref<128x128xf32, #tpu.memory_space<hbm>>
    tpu.enqueue_dma source(%arg11 : memref<128x128xf32, #tpu.memory_space<vmem>>) target(%dma_start3A_136 : memref<128x128xf32, #tpu.memory_space<hbm>>) target_semaphore(%arg23 : memref<!tpu.dma_semaphore, #tpu.memory_space<semaphore_mem>>)
    %dma_wait3A_137 = arith.constant 0 : i32
    %dma_wait3A_138 = tpu.memref_slice %arg6[%add3A_77, %dma_wait3A_137] : memref<16384x128xf32, #tpu.memory_space<hbm>> -> memref<128x128xf32, #tpu.memory_space<hbm>>
    %dma_wait3A_139 = arith.constant 0 : i32
    %dma_wait3A_140 = tpu.memref_slice %arg6[%add3A_77, %dma_wait3A_139] : memref<16384x128xf32, #tpu.memory_space<hbm>> -> memref<128x128xf32, #tpu.memory_space<hbm>>
    tpu.wait_dma2 semaphore(%arg24 : memref<!tpu.dma_semaphore, #tpu.memory_space<semaphore_mem>>) src(%arg12 : memref<128x128xf32, #tpu.memory_space<vmem>>) dst(%dma_wait3A_140 : memref<128x128xf32, #tpu.memory_space<hbm>>)
    %dma_wait3A_141 = arith.constant 0 : i32
    %dma_wait3A_142 = tpu.memref_slice %arg6[%add3A_88, %dma_wait3A_141] : memref<16384x128xf32, #tpu.memory_space<hbm>> -> memref<128x128xf32, #tpu.memory_space<hbm>>
    %dma_wait3A_143 = arith.constant 0 : i32
    %dma_wait3A_144 = tpu.memref_slice %arg6[%add3A_88, %dma_wait3A_143] : memref<16384x128xf32, #tpu.memory_space<hbm>> -> memref<128x128xf32, #tpu.memory_space<hbm>>
    tpu.wait_dma2 semaphore(%arg25 : memref<!tpu.dma_semaphore, #tpu.memory_space<semaphore_mem>>) src(%arg13 : memref<128x128xf32, #tpu.memory_space<vmem>>) dst(%dma_wait3A_144 : memref<128x128xf32, #tpu.memory_space<hbm>>)
    %dma_wait3A_145 = arith.constant 0 : i32
    %dma_wait3A_146 = tpu.memref_slice %arg7[%add3A_99, %dma_wait3A_145] : memref<16384x128xf32, #tpu.memory_space<hbm>> -> memref<128x128xf32, #tpu.memory_space<hbm>>
    %dma_wait3A_147 = arith.constant 0 : i32
    %dma_wait3A_148 = tpu.memref_slice %arg7[%add3A_99, %dma_wait3A_147] : memref<16384x128xf32, #tpu.memory_space<hbm>> -> memref<128x128xf32, #tpu.memory_space<hbm>>
    tpu.wait_dma2 semaphore(%arg26 : memref<!tpu.dma_semaphore, #tpu.memory_space<semaphore_mem>>) src(%arg14 : memref<128x128xf32, #tpu.memory_space<vmem>>) dst(%dma_wait3A_148 : memref<128x128xf32, #tpu.memory_space<hbm>>)
    %dma_wait3A_149 = arith.constant 0 : i32
    %dma_wait3A_150 = tpu.memref_slice %arg7[%add3A_110, %dma_wait3A_149] : memref<16384x128xf32, #tpu.memory_space<hbm>> -> memref<128x128xf32, #tpu.memory_space<hbm>>
    %dma_wait3A_151 = arith.constant 0 : i32
    %dma_wait3A_152 = tpu.memref_slice %arg7[%add3A_110, %dma_wait3A_151] : memref<16384x128xf32, #tpu.memory_space<hbm>> -> memref<128x128xf32, #tpu.memory_space<hbm>>
    tpu.wait_dma2 semaphore(%arg27 : memref<!tpu.dma_semaphore, #tpu.memory_space<semaphore_mem>>) src(%arg15 : memref<128x128xf32, #tpu.memory_space<vmem>>) dst(%dma_wait3A_152 : memref<128x128xf32, #tpu.memory_space<hbm>>)
    %dma_wait3A_153 = arith.constant 0 : i32
    %dma_wait3A_154 = tpu.memref_slice %arg7[%add3A_121, %dma_wait3A_153] : memref<16384x128xf32, #tpu.memory_space<hbm>> -> memref<128x128xf32, #tpu.memory_space<hbm>>
    %dma_wait3A_155 = arith.constant 0 : i32
    %dma_wait3A_156 = tpu.memref_slice %arg7[%add3A_121, %dma_wait3A_155] : memref<16384x128xf32, #tpu.memory_space<hbm>> -> memref<128x128xf32, #tpu.memory_space<hbm>>
    tpu.wait_dma2 semaphore(%arg22 : memref<!tpu.dma_semaphore, #tpu.memory_space<semaphore_mem>>) src(%arg10 : memref<128x128xf32, #tpu.memory_space<vmem>>) dst(%dma_wait3A_156 : memref<128x128xf32, #tpu.memory_space<hbm>>)
    %dma_wait3A_157 = arith.constant 0 : i32
    %dma_wait3A_158 = tpu.memref_slice %arg7[%add3A_132, %dma_wait3A_157] : memref<16384x128xf32, #tpu.memory_space<hbm>> -> memref<128x128xf32, #tpu.memory_space<hbm>>
    %dma_wait3A_159 = arith.constant 0 : i32
    %dma_wait3A_160 = tpu.memref_slice %arg7[%add3A_132, %dma_wait3A_159] : memref<16384x128xf32, #tpu.memory_space<hbm>> -> memref<128x128xf32, #tpu.memory_space<hbm>>
    tpu.wait_dma2 semaphore(%arg23 : memref<!tpu.dma_semaphore, #tpu.memory_space<semaphore_mem>>) src(%arg11 : memref<128x128xf32, #tpu.memory_space<vmem>>) dst(%dma_wait3A_160 : memref<128x128xf32, #tpu.memory_space<hbm>>)
    return
  }
}

module attributes {stable_mosaic.version = 14 : i64} {
  func.func @_tc_body(%arg0: i32, %arg1: memref<2048x128xf32, #tpu.memory_space<vmem>>, %arg2: memref<2048x128xf32, #tpu.memory_space<vmem>>, %arg3: memref<384x128xf32, #tpu.memory_space<vmem>>, %arg4: memref<384x1xf32, #tpu.memory_space<vmem>>, %arg5: memref<1x1x2048xf32, #tpu.memory_space<vmem>>) attributes {dimension_semantics = [#tpu.dimension_semantics<arbitrary>], iteration_bounds = array<i64: 8>, scalar_prefetch = 0 : i64, scratch_operands = 0 : i64, tpu.core_type = #tpu.core_type<tc>, window_params = [{transform_indices = @transform_0, window_bounds = array<i64: 2048, 128>}, {transform_indices = @transform_1, window_bounds = array<i64: 2048, 128>}, {pipeline_mode = #tpu.pipeline_mode<synchronous>, transform_indices = @transform_2, window_bounds = array<i64: 384, 128>}, {pipeline_mode = #tpu.pipeline_mode<synchronous>, transform_indices = @transform_3, window_bounds = array<i64: 384, 1>}, {transform_indices = @transform_4, window_bounds = array<i64: 1, 1, 2048>}]} {
    %get3A = arith.constant 0 : index
    %get3A_0 = arith.constant 0 : index
    %get3A_1 = vector.load %arg3[%get3A, %get3A_0] : memref<384x128xf32, #tpu.memory_space<vmem>>, vector<384x128xf32>
    %get3A_2 = arith.constant 0 : index
    %get3A_3 = arith.constant 0 : index
    %get3A_4 = vector.load %arg1[%get3A_2, %get3A_3] : memref<2048x128xf32, #tpu.memory_space<vmem>>, vector<2048x128xf32>
    %dot_general3A = arith.constant dense<0.000000e+00> : vector<384x2048xf32>
    %dot_general3A_5 = tpu.matmul %get3A_1, %get3A_4, %dot_general3A {dimension_numbers = #tpu.dot_dimension_numbers<[1], [1], [0], [0], [0, 0, 1, 0], [], []>, transpose_lhs_hint = false} : vector<384x128xf32>, vector<2048x128xf32>, vector<384x2048xf32> -> vector<384x2048xf32>
    %get3A_6 = arith.constant 0 : index
    %get3A_7 = arith.constant 0 : index
    %get3A_8 = vector.load %arg3[%get3A_6, %get3A_7] : memref<384x128xf32, #tpu.memory_space<vmem>>, vector<384x128xf32>
    %get3A_9 = arith.constant 0 : index
    %get3A_10 = arith.constant 0 : index
    %get3A_11 = vector.load %arg2[%get3A_9, %get3A_10] : memref<2048x128xf32, #tpu.memory_space<vmem>>, vector<2048x128xf32>
    %dot_general3A_12 = arith.constant dense<0.000000e+00> : vector<384x2048xf32>
    %dot_general3A_13 = tpu.matmul %get3A_8, %get3A_11, %dot_general3A_12 {dimension_numbers = #tpu.dot_dimension_numbers<[1], [1], [0], [0], [0, 0, 1, 0], [], []>, transpose_lhs_hint = false} : vector<384x128xf32>, vector<2048x128xf32>, vector<384x2048xf32> -> vector<384x2048xf32>
    %get3A_14 = arith.constant 0 : index
    %get3A_15 = arith.constant 0 : index
    %get3A_16 = vector.load %arg4[%get3A_14, %get3A_15] : memref<384x1xf32, #tpu.memory_space<vmem>>, vector<384x1xf32>
    %add3A = vector.broadcast %get3A_16 : vector<384x1xf32> to vector<384x2048xf32>
    %add3A_17 = arith.addf %dot_general3A_5, %add3A : vector<384x2048xf32>
    %max3A = arith.constant 0.000000e+00 : f32
    %max3A_18 = vector.broadcast %max3A : f32 to vector<384x2048xf32>
    %max3A_19 = arith.maximumf %add3A_17, %max3A_18 : vector<384x2048xf32>
    %add3A_20 = vector.broadcast %get3A_16 : vector<384x1xf32> to vector<384x2048xf32>
    %add3A_21 = arith.addf %dot_general3A_13, %add3A_20 : vector<384x2048xf32>
    %max3A_22 = arith.constant 0.000000e+00 : f32
    %max3A_23 = vector.broadcast %max3A_22 : f32 to vector<384x2048xf32>
    %max3A_24 = arith.maximumf %add3A_21, %max3A_23 : vector<384x2048xf32>
    %mul3A = arith.mulf %max3A_19, %max3A_24 : vector<384x2048xf32>
    %reduce_sum3A = arith.constant dense<0.000000e+00> : vector<2048xf32>
    %reduce_sum3A_25 = vector.multi_reduction <add>, %mul3A, %reduce_sum3A [0] : vector<384x2048xf32> to vector<2048xf32>
    %mul3A_26 = arith.mulf %max3A_19, %max3A_19 : vector<384x2048xf32>
    %reduce_sum3A_27 = arith.constant dense<0.000000e+00> : vector<2048xf32>
    %reduce_sum3A_28 = vector.multi_reduction <add>, %mul3A_26, %reduce_sum3A_27 [0] : vector<384x2048xf32> to vector<2048xf32>
    %mul3A_29 = arith.mulf %max3A_24, %max3A_24 : vector<384x2048xf32>
    %reduce_sum3A_30 = arith.constant dense<0.000000e+00> : vector<2048xf32>
    %reduce_sum3A_31 = vector.multi_reduction <add>, %mul3A_29, %reduce_sum3A_30 [0] : vector<384x2048xf32> to vector<2048xf32>
    %max3A_32 = arith.constant 1.000000e-16 : f32
    %max3A_33 = vector.broadcast %max3A_32 : f32 to vector<2048xf32>
    %max3A_34 = arith.maximumf %reduce_sum3A_28, %max3A_33 : vector<2048xf32>
    %max3A_35 = arith.constant 1.000000e-16 : f32
    %max3A_36 = vector.broadcast %max3A_35 : f32 to vector<2048xf32>
    %max3A_37 = arith.maximumf %reduce_sum3A_31, %max3A_36 : vector<2048xf32>
    %mul3A_38 = arith.mulf %max3A_34, %max3A_37 : vector<2048xf32>
    %rsqrt3A = math.rsqrt %mul3A_38 : vector<2048xf32>
    %mul3A_39 = arith.mulf %reduce_sum3A_25, %rsqrt3A : vector<2048xf32>
    %swap3A = arith.constant 0 : index
    %swap3A_40 = arith.constant 0 : index
    %swap3A_41 = arith.constant 0 : index
    %swap3A_42 = vector.load %arg5[%swap3A, %swap3A_40, %swap3A_41] : memref<1x1x2048xf32, #tpu.memory_space<vmem>>, vector<1x1x2048xf32>
    %swap3A_43 = vector.shape_cast %swap3A_42 : vector<1x1x2048xf32> to vector<2048xf32>
    %swap3A_44 = vector.shape_cast %mul3A_39 : vector<2048xf32> to vector<1x1x2048xf32>
    tpu.vector_store %arg5[%swap3A, %swap3A_40, %swap3A_41], %swap3A_44 {strides = array<i32>} : memref<1x1x2048xf32, #tpu.memory_space<vmem>>, vector<1x1x2048xf32>,
    return
  }
  func.func @transform_0(%arg0: i32) -> (i32, i32) {
    %c0_i32 = arith.constant 0 : i32
    %c0_i32_0 = arith.constant 0 : i32
    return %arg0, %c0_i32 : i32, i32
  }
  func.func @transform_1(%arg0: i32) -> (i32, i32) {
    %c0_i32 = arith.constant 0 : i32
    %c0_i32_0 = arith.constant 0 : i32
    return %arg0, %c0_i32 : i32, i32
  }
  func.func @transform_2(%arg0: i32) -> (i32, i32) {
    %c0_i32 = arith.constant 0 : i32
    %c0_i32_0 = arith.constant 0 : i32
    %c0_i32_1 = arith.constant 0 : i32
    return %c0_i32, %c0_i32_0 : i32, i32
  }
  func.func @transform_3(%arg0: i32) -> (i32, i32) {
    %c0_i32 = arith.constant 0 : i32
    %c0_i32_0 = arith.constant 0 : i32
    %c0_i32_1 = arith.constant 0 : i32
    return %c0_i32, %c0_i32_0 : i32, i32
  }
  func.func @transform_4(%arg0: i32) -> (i32, i32, i32) {
    %c0_i32 = arith.constant 0 : i32
    %c0_i32_0 = arith.constant 0 : i32
    %c0_i32_1 = arith.constant 0 : i32
    return %arg0, %c0_i32, %c0_i32_0 : i32, i32, i32
  }
}

</mosaic_0001>

<sc_bundles>
// kernel: kernel.4.cloned.1.call-start
scs
__scs_entry_jumppad:
0x0: {  	(pc) =	sbr.rel $0x88, $3  }
0x1: {  	(tag) =	ssettag $0x0;
	lr =	simm.s32 $0x1  }
0x2: {  	[smem:$0x3F9B] =	sst lr;
	_ =	strace $0xD0000000  }
0x3: {  	_ = 	snop  }
0x4: {  	_ = 	snop  }
0x5: {  	_ = 	snop  }
0x6: {  	_ = 	snop  }
0x7: {  	_ = 	snop  }
__scs_overlays_trampoline_lowered:
0x8: {  	[smem:$0x3FAA] =	sst s0  }
0x9: {  	[smem:$0x3FAB] =	sst s1  }
0xa: {  	[smem:$0x3FAC] =	sst s2  }
0xb: {  	[smem:$0x3FAD] =	sst s3  }
0xc: {  	[smem:$0x3FAE] =	sst s4  }
0xd: {  	[smem:$0x3FAF] =	sst s5  }
0xe: {  	[smem:$0x3FB0] =	sst s6  }
0xf: {  	[smem:$0x3FB1] =	sst s7  }
0x10: {  	[smem:$0x3FB2] =	sst s8  }
0x11: {  	[smem:$0x3FB3] =	sst s9;
	s0 =	simm.s32 @!p0 $0x0  }
0x12: {  	s1 =	sld [smem:$0x3F99];
	s0 =	simm.s32 @p0 $0x1  }
0x13: {  	[smem:$0x3FB4] =	sst s0;
	s0 =	simm.s32 @!p1 $0x0  }
0x14: {  	s2 =	sld [smem:$0x3F98];
	s0 =	simm.s32 @p1 $0x1  }
0x15: {  	[smem:$0x3FB5] =	sst s0;
	s0 =	simm.s32 @!p2 $0x0  }
0x16: {  	s3 =	sld [smem:$0x3FDB];
	s0 =	simm.s32 @p2 $0x1  }
0x17: {  	s4 =	simm.s32 $0x1BF5;
	[smem:$0x3FB7] =	sst s0  }
0x18: {  	s0 =	sld [smem:$0x3F9A];
	_ =	swait.ge [sflag:s4], $0x0  }
0x19: {  	s7 =	sld [smem:$0x3F9B]  }
0x1a: {  	s8 =	sadd.s32 $0xFFFFE003, lr  }
0x1b: {  	s9 =	sadd.s32 $0xFFFFFEF7, lr;
	s5 =	simm.s32 $0xFFFFFFFF;
	p2 =	slt.u32 s8, $0xFFFFF086  }
0x1c: {  	p1 =	slt.u32 s9, $0xF7A;
	s5 =	simm.s32 @!p2 $0x0  }
0x1d: {  	s5 =	simm.s32 @p1 $0x1;
	p0 =	seq.s32 s7, s2  }
0x1e: {  	s7 =	smul.u32 @!p0 $0xF7A, s2;
	p2 =	seq.s32 @!p0 s5, $0x0  }
0x1f: {  	s9 =	smul.u32 $0xF7A, s1;
	s8 =	simm.s32 @!p0 $0x1BF5;
	p2 =	por !p2, p0  }
0x20: {  	[sflag:s8] =	ssyncset.s32 @!p0 $0xFFFFF086;
	s6 =	sadd.s32 @!p0 s3, s7;
	s7 =	simm.s32 @!p0 $0x108  }
0x21: {  	s3 =	sadd.s32 s3, s9;
	s6 =	sadd.s32 @!p0 $0x88, s6;
	s7 =	simm.s32 @p2 $0x1082  }
0x22: {  	[simem:s7], [sflag:s8] =	dma.local @!p0 [hbm:s6], $0xF7A  }
0x23: {  	s9 =	sor.u32 $0xD0000000, s2;
	s6 =	simm.s32 $0x108;
	_ =	swait.ge @!p0 [sflag:s8], $0x0  }
0x24: {  	s3 =	sadd.s32 $0x88, s3;
	s6 =	simm.s32 @!p1 $0x1082;
	[sflag:s4] =	ssyncset.s32 $0xFFFFF086  }
0x25: {  	[simem:s6], [sflag:s4] =	dma.local [hbm:s3], $0xF7A  }
0x26: {  	[smem:$0x3F9B] =	sst s1;
	(tag) =	ssettag s2;
	_ =	strace s9  }
0x27: {  	s1 =	sld [smem:$0x3FAB]  }
0x28: {  	s2 =	sld [smem:$0x3FAC]  }
0x29: {  	s4 =	sld [smem:$0x3FAE]  }
0x2a: {  	p0 =	seq.s32 s5, $0x0;
	s5 =	sld [smem:$0x3FAF]  }
0x2b: {  	s6 =	sld [smem:$0x3FB0]  }
0x2c: {  	s7 =	sld [smem:$0x3FB1]  }
0x2d: {  	s3 =	simm.s32 $0x108;
	s8 =	sld [smem:$0x3FB2]  }
0x2e: {  	s3 =	simm.s32 @!p0 $0x1082;
	s9 =	sld [smem:$0x3FB3]  }
0x2f: {  	lr =	sadd.s32 s0, s3;
	s0 =	sld [smem:$0x3FAA]  }
0x30: {  	s3 =	sld [smem:$0x3FAD]  }
0x31: {  	[smem:$0x3FB6] =	sst s10  }
0x32: {  	s10 =	sld [smem:$0x3FB4];
	_ =	sdelay $0x3  }
0x33: {  	p0 =	seq.s32 s10, $0x1;
	s10 =	sld [smem:$0x3FB6];
	_ =	sdelay $0x3  }
0x34: {  	[smem:$0x3FB6] =	sst s10  }
0x35: {  	s10 =	sld [smem:$0x3FB5];
	_ =	sdelay $0x3  }
0x36: {  	p1 =	seq.s32 s10, $0x1;
	s10 =	sld [smem:$0x3FB6];
	_ =	sdelay $0x3  }
0x37: {  	[smem:$0x3FB6] =	sst s10  }
0x38: {  	s10 =	sld [smem:$0x3FB7]  }
0x39: {  	_ = 	snop;
	(pc) =	sbr.ind lr, $3  }
0x3a: {  	_ = 	snop  }
0x3b: {  	_ = 	snop  }
0x3c: {  	p2 =	seq.s32 s10, $0x1;
	s10 =	sld [smem:$0x3FB6]  }
0x3d: {  	_ =	shalt  }
0x3e: {  	_ =	shalt  }
0x3f: {  	_ =	shalt  }
0x40: {  	_ =	shalt  }
0x41: {  	_ =	shalt  }
0x42: {  	_ =	shalt  }
0x43: {  	_ =	shalt  }
0x44: {  	_ =	shalt  }
0x45: {  	_ =	shalt  }
0x46: {  	_ =	shalt  }
0x47: {  	_ =	shalt  }
0x48: {  	_ =	shalt  }
0x49: {  	_ =	shalt  }
0x4a: {  	_ =	shalt  }
0x4b: {  	_ =	shalt  }
0x4c: {  	_ =	shalt  }
0x4d: {  	_ =	shalt  }
0x4e: {  	_ =	shalt  }
0x4f: {  	_ =	shalt  }
0x50: {  	_ =	shalt  }
0x51: {  	_ =	shalt  }
0x52: {  	_ =	shalt  }
0x53: {  	_ =	shalt  }
0x54: {  	_ =	shalt  }
0x55: {  	_ =	shalt  }
0x56: {  	_ =	shalt  }
0x57: {  	_ =	shalt  }
0x58: {  	_ =	shalt  }
0x59: {  	_ =	shalt  }
0x5a: {  	_ =	shalt  }
0x5b: {  	_ =	shalt  }
0x5c: {  	_ =	shalt  }
0x5d: {  	_ =	shalt  }
0x5e: {  	_ =	shalt  }
0x5f: {  	_ =	shalt  }
0x60: {  	_ =	shalt  }
0x61: {  	_ =	shalt  }
0x62: {  	_ =	shalt  }
0x63: {  	_ =	shalt  }
0x64: {  	_ =	shalt  }
0x65: {  	_ =	shalt  }
0x66: {  	_ =	shalt  }
0x67: {  	_ =	shalt  }
0x68: {  	_ =	shalt  }
0x69: {  	_ =	shalt  }
0x6a: {  	_ =	shalt  }
0x6b: {  	_ =	shalt  }
0x6c: {  	_ =	shalt  }
0x6d: {  	_ =	shalt  }
0x6e: {  	_ =	shalt  }
0x6f: {  	_ =	shalt  }
0x70: {  	_ =	shalt  }
0x71: {  	_ =	shalt  }
0x72: {  	_ =	shalt  }
0x73: {  	_ =	shalt  }
0x74: {  	_ =	shalt  }
0x75: {  	_ =	shalt  }
0x76: {  	_ =	shalt  }
0x77: {  	_ =	shalt  }
0x78: {  	_ =	shalt  }
0x79: {  	_ =	shalt  }
0x7a: {  	_ =	shalt  }
0x7b: {  	_ =	shalt  }
0x7c: {  	_ =	shalt  }
0x7d: {  	_ =	shalt  }
0x7e: {  	_ =	shalt  }
0x7f: {  	_ =	shalt  }
0x80: {  	_ =	shalt  }
0x81: {  	_ =	shalt  }
0x82: {  	_ =	shalt  }
0x83: {  	_ =	shalt  }
0x84: {  	_ =	shalt  }
0x85: {  	_ =	shalt  }
0x86: {  	_ =	shalt  }
0x87: {  	_ =	shalt  }
.Lfunc_end0:
.L_simem_size_0:
called_computation_lowered:
.L_overlay_start_0:
0x88: {  	s2 =	sld [smem:$0x3FD9]  }
0x89: {  	s3 =	sld [smem:$0x3FFE];
	_ =	sdelay $0x1  }
0x8a: {  	s1 =	srdreg.scid  }
0x8b: {  	s0 =	sand.u32 $0x1, s1  }
0x8c: {  	s17 =	sshll.u32 s0, $0xA;
	s2 =	sadd.s32 s3, s2  }
0x8d: {  	s2 =	sadd.s32 s2, s17  }
0x8e: {  	[smem:$0x3FC2] =	sst s2  }
0x8f: {  	_ = 	snop  }
0x90: {  	s2 =	sld [smem:$0x3FC9]  }
0x91: {  	s18 =	sld [smem:$0x3FC8]  }
0x92: {  	s4 =	sld [smem:$0x3FC7]  }
0x93: {  	s5 =	sld [smem:$0x3FC6];
	(tm) =	ssettm $0x1  }
0x94: {  	s6 =	sld [smem:$0x3FFB];
	_ =	sdelay $0x3  }
0x95: {  	_ =	strace s6  }
0x96: {  	s6 =	sld [smem:$0x3FFC];
	_ =	sdelay $0x3  }
0x97: {  	_ =	strace s6  }
0x98: {  	s6 =	sld [smem:$0x3FFD];
	_ =	sdelay $0x3  }
0x99: {  	_ =	strace s6  }
0x9a: {  	_ =	strace $0x8FFFFFFF  }
0x9b: {  	s19 =	sld [smem:$0x3FDB];
	_ =	sdelay $0x1  }
0x9c: {  	s7 =	simm.s32 $_scs_section_size  }
0x9d: {  	s8 =	simm.s32 $_size__tile_overlayer_lowered;
	s9 =	simm.s32 $_tile_overlayer_lowered  }
0x9e: {  	s22 =	simm.s32 $0x1BFF;
	s21 =	sshll.u32 s9, $0x1;
	s6 =	sadd.s32 s7, s19  }
0x9f: {  	s10 =	simm.s32 $0x0;
	s20 =	sshll.u32 s8, $0x1;
	s8 =	sadd.s32 s21, s6  }
0xa0: {  	[timem:s10], [sflag:s22] =	dma.local [hbm:s8], s20  }
0xa1: {  	_ =	swait.ge [sflag:s22], s20  }
0xa2: {  	s7 =	ssub.s32 $0x0, s20;
	[sflag:s22] =	ssyncset.done $0x0  }
0xa3: {  	[sflag:s22] =	ssyncadd.s32 s7;
	_ =	sdelay $0x1  }
0xa4: {  	s23 =	simm.s32 $0x1B8B  }
0xa5: {  	_ =	swait.ge [sflag:s23], $0x1  }
0xa6: {  	[sflag:s23] =	ssyncset.done $0x0  }
0xa7: {  	s25 =	simm.s32 $0x1B8E;
	s24 =	sld [smem:$0x3FFE];
	[sflag:s23] =	ssyncadd.s32 $0xFFFFFFFF  }
0xa8: {  	s26 =	simm.s32 $execute0_lowered;
	[smem:$0x3FD2] =	sst s25  }
0xa9: {  	s8 =	sshll.u32 s26, $0x1;
	_ =	strace $0x80000046;
	[dreg:$0x1] =	wrdreg $0xFFFFFFFF  }
0xaa: {  	s28 =	simm.s32 $_size_execute0_lowered;
	s6 =	sadd.s32 s6, s8;
	[dreg:$0x0] =	wrdreg $0x0  }
0xab: {  	s8 =	sshll.u32 s28, $0x1;
	[dreg:$0x2] =	wrdreg s6  }
0xac: {  	[dreg:$0x3] =	wrdreg s8  }
0xad: {  	[dreg:$0x4] =	wrdreg $0xC0  }
0xae: {  	_ =	task [dreg:s10], $0x5FFFF  }
0xaf: {  	[dreg:$0x1] =	wrdreg $0xFFFFFFFF  }
0xb0: {  	[dreg:$0x0] =	wrdreg $0x60  }
0xb1: {  	[dreg:$0x2] =	wrdreg s4  }
0xb2: {  	[dreg:$0x3] =	wrdreg s5  }
0xb3: {  	[dreg:$0x4] =	wrdreg s2  }
0xb4: {  	[dreg:$0x5] =	wrdreg s18  }
0xb5: {  	[dreg:$0x6] =	wrdreg s24  }
0xb6: {  	[dreg:$0x7] =	wrdreg $0x9  }
0xb7: {  	_ =	task.clear_ibuf [dreg:s10], $0x8FFFF;
	_ =	strace $0x90000046  }
0xb8: {  	s29 =	simm.s32 $0x9;
	_ =	strace $0x80000048  }
0xb9: {  	_ =	swait.ge [sflag:s29], $0x1  }
0xba: {  	[sflag:s29] =	ssyncadd.s32 $0xFFFFFFFF  }
0xbb: {  	_ =	strace $0x90000048  }
0xbc: {  	_ =	sfence  }
0xbd: {  	s30 =	sld [smem:$0x0];
	_ =	sdelay $0x2  }
0xbe: {  	s31 =	sshll.u32 s1, $0xD;
	s1 =	sshrl.u32 s1, $0x2  }
0xbf: {  	s3 =	sand.u32 $0x4000, s31;
	s1 =	sadd.s32 s1, s30  }
0xc0: {  	s0 =	sor.u32 s3, s0;
	s1 =	sshll.u32 s1, $0x11  }
0xc1: {  	s0 =	sor.u32 s1, s0  }
0xc2: {  	s0 =	sadd.s32 $0x8F2B, s0  }
0xc3: {  	[sflag:s0] =	ssyncadd.remote.s32 $0x1  }
0xc4: {  	_ =	sfence.sel $0xFFFF  }
0xc5: {  	[dreg:$0x0] =	wrdreg $0xFFFFFFFF;
	(pc) =	sbr.abs _section_cstart, $3  }
0xc6: {  	[dreg:$0x1] =	wrdreg $0xFFFFFFFF  }
0xc7: {  	_ =	task.clear_ibuf [dreg:s10], $0x2FFFF;
	_ =	strace $0x9FFFFFFF  }
0xc8: {  	(tm) =	ssettm $0x7FFFFFFF  }
0xc9: {  	_ =	shalt  }
tec
execute0_lowered:
.L_overlay_start_1:
0x0: {  	(tag) =	ssettag $0x1  }
0x1: {  	s6 =	rddreg [dreg:$0x0]  }
0x2: {  	s3 =	rddreg [dreg:$0x1]  }
0x3: {  	s0 =	rddreg [dreg:$0x2]  }
0x4: {  	s1 =	srdreg.scid;
	s4 =	rddreg [dreg:$0x3]  }
0x5: {  	s2 =	stileid.u32;
	s5 =	rddreg [dreg:$0x4]  }
0x6: {  	s28 =	simm.s32 $0xD;
	s25 =	simm.s32 $0x200;
	s29 =	simm.s32 $0x100  }
0x7: {  	s30 =	simm.s32 $0x180;
	s31 =	simm.s32 $0x280;
	s26 =	simm.s32 $0x300  }
0x8: {  	s24 =	simm.s32 $0x380;
	s23 =	simm.s32 $0x3;
	s22 =	simm.s32 $0x4  }
0x9: {  	p0 =	por $0x0, $0x0;
	s1 =	sand.u32 $0x1, s1;
	s7 =	sshll.u32 s2, $0xA  }
0xa: {  	s2 =	simm.s32 $0x0;
	s9 =	sadd.s32 $0x1000, s5;
	s8 =	sshll.u32 s1, $0x9  }
0xb: {  	s5 =	sadd.s32 $0x41000, s5;
	s1 =	ssub.s32 $0x2, s1;
	s7 =	sor.u32 s8, s7  }
0xc: {  	[smem:$0x7FF] =	sst s2;
	s18 =	sshrl.u32 s1, $0x1;
	s8 =	sshrl.u32 s7, $0x3  }
0xd: {  	_ =	strace $0x80000047;
	s1 =	ssub.s32 s1, s18;
	s0 =	sadd.s32 s0, s8  }
0xe: {  	s18 =	simm.s32 $0x8400;
	s4 =	sadd.s32 s4, s8;
	[dreg:$0x6] =	wrdreg s0  }
0xf: {  	s8 =	sshll.u32 s7, $0x4;
	s21 =	smax.u32 s1, $0x1;
	[dreg:$0x7] =	wrdreg s4  }
0x10: {  	s11 =	sadd.s32 s9, s8;
	s7 =	sor.u32 $0x800, s8;
	s13 =	sor.u32 $0x1000, s8  }
0x11: {  	s10 =	sor.u32 $0x1800, s8;
	s16 =	sadd.s32 s5, s8;
	s8 =	simm.s32 $0x400  }
0x12: {  	s4 =	simm.s32 $0x7;
	p1 =	sne.s32 s21, $0x1;
	[dreg:$0x8] =	wrdreg s11  }
0x13: {  	s1 =	sadd.s32 $0xFFFFFFFF, s21;
	s21 =	simm.s32 $0x5;
	[dreg:$0xc] =	wrdreg s16  }
0x14: {  	s12 =	sadd.s32 s9, s7;
	s14 =	sadd.s32 s9, s13;
	s0 =	rddreg [dreg:$0x6]  }
0x15: {  	s15 =	sadd.s32 s9, s10;
	s17 =	sadd.s32 s5, s7;
	[dreg:$0x9] =	wrdreg s12  }
0x16: {  	s19 =	sadd.s32 s5, s13;
	s20 =	sadd.s32 s5, s10;
	[dreg:$0xa] =	wrdreg s14  }
0x17: {  	s7 =	simm.s32 $0x4400;
	s16 =	simm.s32 $0x10400;
	[dreg:$0xb] =	wrdreg s15  }
.Ltmp0:
0x18: {  	s11 =	simm.s32 $0x1;
	[dreg:$0xd] =	wrdreg s17;
	(pc) =	sbr.rel @!p1 .LBB2_3-.Ltmp0, $4  }
0x19: {  	s9 =	simm.s32 $0x2;
	s5 =	simm.s32 $0x8;
	[dreg:$0xe] =	wrdreg s19  }
0x1a: {  	s13 =	simm.s32 $0xA;
	s10 =	simm.s32 $0xC;
	[dreg:$0xf] =	wrdreg s20  }
0x1b: {  	s19 =	simm.s32 $0x80;
	s17 =	simm.s32 $0xC400;
	s14 =	simm.s32 $0x14400  }
0x1c: {  	s20 =	simm.s32 $0x6;
	s15 =	simm.s32 $0x9;
	s12 =	simm.s32 $0xB  }
0x1d: {  	[tilespmem:s2], [sflag:$0xD] =	stream.linear.gather [hbm4b:s0+s2], $0x200, $0x38;
	[tilespmem:$0x18400] =	vst v63  }
0x1e: {  	_ =	swait.ge [sflag:s28], $0x200  }
0x1f: {  	[sflag:s28] =	ssyncset.done $0x0  }
0x20: {  	s0 =	rddreg [dreg:$0x7];
	[sflag:s28] =	ssyncadd.s32 $0xFFFFFE00  }
0x21: {  	[tilespmem:s25], [sflag:$0xD] =	stream.linear.gather [hbm4b:s0+s2], $0x200, $0x38;
	[tilespmem:$0x18400] =	vst v63  }
0x22: {  	_ =	swait.ge [sflag:s28], $0x200  }
0x23: {  	[sflag:s28] =	ssyncset.done $0x0  }
0x24: {  	[sflag:s28] =	ssyncadd.s32 $0xFFFFFE00  }
0x25: {  	[tilespmem:s8], [sflag:$0x1] =	stream.indirect.gather [hbm4b:s6+s19], $0x80, s2, s19, $0xb8;
	[tilespmem:$0x18400] =	vst v63  }
0x26: {  	_ = 	snop  }
0x27: {  	[tilespmem:s7], [sflag:$0x2] =	stream.indirect.gather [hbm4b:s6+s19], $0x80, s19, s19, $0xb8;
	[tilespmem:$0x18400] =	vst v63  }
0x28: {  	_ = 	snop  }
0x29: {  	[tilespmem:s18], [sflag:$0x3] =	stream.indirect.gather [hbm4b:s6+s19], $0x80, s29, s19, $0xb8;
	[tilespmem:$0x18400] =	vst v63  }
0x2a: {  	_ = 	snop  }
0x2b: {  	[tilespmem:s17], [sflag:$0x4] =	stream.indirect.gather [hbm4b:s6+s19], $0x80, s30, s19, $0xb8;
	[tilespmem:$0x18400] =	vst v63  }
0x2c: {  	_ = 	snop  }
0x2d: {  	[tilespmem:s16], [sflag:$0x5] =	stream.indirect.gather [hbm4b:s3+s19], $0x80, s25, s19, $0xb8;
	[tilespmem:$0x18400] =	vst v63  }
0x2e: {  	_ = 	snop  }
0x2f: {  	[tilespmem:s14], [sflag:$0x6] =	stream.indirect.gather [hbm4b:s3+s19], $0x80, s31, s19, $0xb8;
	[tilespmem:$0x18400] =	vst v63  }
0x30: {  	_ =	swait.ge [sflag:s11], $0x4000  }
0x31: {  	[sflag:s11] =	ssyncset.done $0x0  }
0x32: {  	s0 =	rddreg [dreg:$0x8];
	[sflag:s11] =	ssyncadd.s32 $0xFFFFC000  }
0x33: {  	[hbm4b:s0+s2] =	stream.linear.scatter [tilespmem:s8], [sflag:$0x7], $0x4000, $0x38;
	[tilespmem:$0x18400] =	vst v63  }
0x34: {  	_ =	swait.ge [sflag:s4], $0x4000  }
0x35: {  	[sflag:s4] =	ssyncset.done $0x0  }
0x36: {  	[sflag:s4] =	ssyncadd.s32 $0xFFFFC000  }
0x37: {  	[tilespmem:s8], [sflag:$0x1] =	stream.indirect.gather [hbm4b:s3+s19], $0x80, s26, s19, $0xb8;
	[tilespmem:$0x18400] =	vst v63  }
0x38: {  	_ =	swait.ge [sflag:s9], $0x4000  }
0x39: {  	[sflag:s9] =	ssyncset.done $0x0  }
0x3a: {  	s0 =	rddreg [dreg:$0x9];
	[sflag:s9] =	ssyncadd.s32 $0xFFFFC000  }
0x3b: {  	[hbm4b:s0+s2] =	stream.linear.scatter [tilespmem:s7], [sflag:$0x8], $0x4000, $0x38;
	[tilespmem:$0x18400] =	vst v63  }
0x3c: {  	_ =	swait.ge [sflag:s5], $0x4000  }
0x3d: {  	[sflag:s5] =	ssyncset.done $0x0  }
0x3e: {  	[sflag:s5] =	ssyncadd.s32 $0xFFFFC000  }
0x3f: {  	[tilespmem:s7], [sflag:$0x2] =	stream.indirect.gather [hbm4b:s3+s19], $0x80, s24, s19, $0xb8;
	[tilespmem:$0x18400] =	vst v63  }
0x40: {  	_ =	swait.ge [sflag:s23], $0x4000  }
0x41: {  	[sflag:s23] =	ssyncset.done $0x0  }
0x42: {  	s0 =	rddreg [dreg:$0xa];
	[sflag:s23] =	ssyncadd.s32 $0xFFFFC000  }
0x43: {  	[hbm4b:s0+s2] =	stream.linear.scatter [tilespmem:s18], [sflag:$0x9], $0x4000, $0x38;
	[tilespmem:$0x18400] =	vst v63  }
0x44: {  	_ =	swait.ge [sflag:s22], $0x4000  }
0x45: {  	[sflag:s22] =	ssyncset.done $0x0  }
0x46: {  	s0 =	rddreg [dreg:$0xb];
	[sflag:s22] =	ssyncadd.s32 $0xFFFFC000  }
0x47: {  	[hbm4b:s0+s2] =	stream.linear.scatter [tilespmem:s17], [sflag:$0xA], $0x4000, $0x38;
	[tilespmem:$0x18400] =	vst v63  }
0x48: {  	_ =	swait.ge [sflag:s21], $0x4000  }
0x49: {  	[sflag:s21] =	ssyncset.done $0x0  }
0x4a: {  	s0 =	rddreg [dreg:$0xc];
	[sflag:s21] =	ssyncadd.s32 $0xFFFFC000  }
0x4b: {  	[hbm4b:s0+s2] =	stream.linear.scatter [tilespmem:s16], [sflag:$0xB], $0x4000, $0x38;
	[tilespmem:$0x18400] =	vst v63  }
0x4c: {  	_ =	swait.ge [sflag:s20], $0x4000  }
0x4d: {  	[sflag:s20] =	ssyncset.done $0x0  }
0x4e: {  	s0 =	rddreg [dreg:$0xd];
	[sflag:s20] =	ssyncadd.s32 $0xFFFFC000  }
0x4f: {  	[hbm4b:s0+s2] =	stream.linear.scatter [tilespmem:s14], [sflag:$0xC], $0x4000, $0x38;
	[tilespmem:$0x18400] =	vst v63  }
0x50: {  	_ =	swait.ge [sflag:s11], $0x4000  }
0x51: {  	[sflag:s11] =	ssyncset.done $0x0  }
0x52: {  	s0 =	rddreg [dreg:$0xe];
	[sflag:s11] =	ssyncadd.s32 $0xFFFFC000  }
0x53: {  	[hbm4b:s0+s2] =	stream.linear.scatter [tilespmem:s8], [sflag:$0x7], $0x4000, $0x38;
	[tilespmem:$0x18400] =	vst v63  }
0x54: {  	_ =	swait.ge [sflag:s9], $0x4000  }
0x55: {  	[sflag:s9] =	ssyncset.done $0x0  }
0x56: {  	s0 =	rddreg [dreg:$0xf];
	[sflag:s9] =	ssyncadd.s32 $0xFFFFC000  }
0x57: {  	[hbm4b:s0+s2] =	stream.linear.scatter [tilespmem:s7], [sflag:$0x8], $0x4000, $0x38;
	[tilespmem:$0x18400] =	vst v63  }
0x58: {  	_ =	swait.ge [sflag:s15], $0x4000  }
0x59: {  	[sflag:s15] =	ssyncset.done $0x0  }
0x5a: {  	[sflag:s15] =	ssyncadd.s32 $0xFFFFC000  }
0x5b: {  	_ =	swait.ge [sflag:s13], $0x4000  }
0x5c: {  	[sflag:s13] =	ssyncset.done $0x0  }
0x5d: {  	[sflag:s13] =	ssyncadd.s32 $0xFFFFC000  }
0x5e: {  	_ =	swait.ge [sflag:s12], $0x4000  }
0x5f: {  	[sflag:s12] =	ssyncset.done $0x0  }
0x60: {  	[sflag:s12] =	ssyncadd.s32 $0xFFFFC000  }
0x61: {  	_ =	swait.ge [sflag:s10], $0x4000  }
0x62: {  	[sflag:s10] =	ssyncset.done $0x0  }
0x63: {  	p1 =	sne.s32 s1, $0x1;
	[sflag:s10] =	ssyncadd.s32 $0xFFFFC000  }
.Ltmp1:
0x64: {  	_ =	swait.ge [sflag:s4], $0x4000;
	(pc) =	sbr.rel @!p1 .LBB2_3-.Ltmp1, $4  }
0x65: {  	[sflag:s4] =	ssyncset.done $0x0  }
0x66: {  	[sflag:s4] =	ssyncadd.s32 $0xFFFFC000  }
0x67: {  	s1 =	sadd.s32 $0xFFFFFFFF, s1;
	_ =	swait.ge [sflag:s5], $0x4000  }
0x68: {  	p0 =	por $0x1, $0x1;
	s0 =	rddreg [dreg:$0x6];
	[sflag:s5] =	ssyncset.done $0x0  }
.LBB2_2:
0x69: {  	[sflag:s5] =	ssyncadd.s32 $0xFFFFC000  }
0x6a: {  	[tilespmem:s2], [sflag:$0xD] =	stream.linear.gather [hbm4b:s0+s2], $0x200, $0x38;
	[tilespmem:$0x18400] =	vst v63  }
0x6b: {  	_ =	swait.ge [sflag:s28], $0x200  }
0x6c: {  	[sflag:s28] =	ssyncset.done $0x0  }
0x6d: {  	s0 =	rddreg [dreg:$0x7];
	[sflag:s28] =	ssyncadd.s32 $0xFFFFFE00  }
0x6e: {  	[tilespmem:s25], [sflag:$0xD] =	stream.linear.gather [hbm4b:s0+s2], $0x200, $0x38;
	[tilespmem:$0x18400] =	vst v63  }
0x6f: {  	_ =	swait.ge [sflag:s28], $0x200  }
0x70: {  	[sflag:s28] =	ssyncset.done $0x0  }
0x71: {  	[sflag:s28] =	ssyncadd.s32 $0xFFFFFE00  }
0x72: {  	[tilespmem:s8], [sflag:$0x1] =	stream.indirect.gather [hbm4b:s6+s19], $0x80, s2, s19, $0xb8;
	[tilespmem:$0x18400] =	vst v63  }
0x73: {  	_ = 	snop  }
0x74: {  	[tilespmem:s7], [sflag:$0x2] =	stream.indirect.gather [hbm4b:s6+s19], $0x80, s19, s19, $0xb8;
	[tilespmem:$0x18400] =	vst v63  }
0x75: {  	_ = 	snop  }
0x76: {  	[tilespmem:s18], [sflag:$0x3] =	stream.indirect.gather [hbm4b:s6+s19], $0x80, s29, s19, $0xb8;
	[tilespmem:$0x18400] =	vst v63  }
0x77: {  	_ = 	snop  }
0x78: {  	[tilespmem:s17], [sflag:$0x4] =	stream.indirect.gather [hbm4b:s6+s19], $0x80, s30, s19, $0xb8;
	[tilespmem:$0x18400] =	vst v63  }
0x79: {  	_ = 	snop  }
0x7a: {  	[tilespmem:s16], [sflag:$0x5] =	stream.indirect.gather [hbm4b:s3+s19], $0x80, s25, s19, $0xb8;
	[tilespmem:$0x18400] =	vst v63  }
0x7b: {  	_ = 	snop  }
0x7c: {  	[tilespmem:s14], [sflag:$0x6] =	stream.indirect.gather [hbm4b:s3+s19], $0x80, s31, s19, $0xb8;
	[tilespmem:$0x18400] =	vst v63  }
0x7d: {  	_ =	swait.ge [sflag:s11], $0x4000  }
0x7e: {  	[sflag:s11] =	ssyncset.done $0x0  }
0x7f: {  	s0 =	rddreg [dreg:$0x8];
	[sflag:s11] =	ssyncadd.s32 $0xFFFFC000  }
0x80: {  	[hbm4b:s0+s2] =	stream.linear.scatter [tilespmem:s8], [sflag:$0x7], $0x4000, $0x38;
	[tilespmem:$0x18400] =	vst v63  }
0x81: {  	_ =	swait.ge [sflag:s4], $0x4000  }
0x82: {  	[sflag:s4] =	ssyncset.done $0x0  }
0x83: {  	[sflag:s4] =	ssyncadd.s32 $0xFFFFC000  }
0x84: {  	[tilespmem:s8], [sflag:$0x1] =	stream.indirect.gather [hbm4b:s3+s19], $0x80, s26, s19, $0xb8;
	[tilespmem:$0x18400] =	vst v63  }
0x85: {  	_ =	swait.ge [sflag:s9], $0x4000  }
0x86: {  	[sflag:s9] =	ssyncset.done $0x0  }
0x87: {  	s0 =	rddreg [dreg:$0x9];
	[sflag:s9] =	ssyncadd.s32 $0xFFFFC000  }
0x88: {  	[hbm4b:s0+s2] =	stream.linear.scatter [tilespmem:s7], [sflag:$0x8], $0x4000, $0x38;
	[tilespmem:$0x18400] =	vst v63  }
0x89: {  	_ =	swait.ge [sflag:s5], $0x4000  }
0x8a: {  	[sflag:s5] =	ssyncset.done $0x0  }
0x8b: {  	[sflag:s5] =	ssyncadd.s32 $0xFFFFC000  }
0x8c: {  	[tilespmem:s7], [sflag:$0x2] =	stream.indirect.gather [hbm4b:s3+s19], $0x80, s24, s19, $0xb8;
	[tilespmem:$0x18400] =	vst v63  }
0x8d: {  	_ =	swait.ge [sflag:s23], $0x4000  }
0x8e: {  	[sflag:s23] =	ssyncset.done $0x0  }
0x8f: {  	s0 =	rddreg [dreg:$0xa];
	[sflag:s23] =	ssyncadd.s32 $0xFFFFC000  }
0x90: {  	[hbm4b:s0+s2] =	stream.linear.scatter [tilespmem:s18], [sflag:$0x9], $0x4000, $0x38;
	[tilespmem:$0x18400] =	vst v63  }
0x91: {  	_ =	swait.ge [sflag:s22], $0x4000  }
0x92: {  	[sflag:s22] =	ssyncset.done $0x0  }
0x93: {  	s0 =	rddreg [dreg:$0xb];
	[sflag:s22] =	ssyncadd.s32 $0xFFFFC000  }
0x94: {  	[hbm4b:s0+s2] =	stream.linear.scatter [tilespmem:s17], [sflag:$0xA], $0x4000, $0x38;
	[tilespmem:$0x18400] =	vst v63  }
0x95: {  	_ =	swait.ge [sflag:s21], $0x4000  }
0x96: {  	[sflag:s21] =	ssyncset.done $0x0  }
0x97: {  	s0 =	rddreg [dreg:$0xc];
	[sflag:s21] =	ssyncadd.s32 $0xFFFFC000  }
0x98: {  	[hbm4b:s0+s2] =	stream.linear.scatter [tilespmem:s16], [sflag:$0xB], $0x4000, $0x38;
	[tilespmem:$0x18400] =	vst v63  }
0x99: {  	_ =	swait.ge [sflag:s20], $0x4000  }
0x9a: {  	[sflag:s20] =	ssyncset.done $0x0  }
0x9b: {  	s0 =	rddreg [dreg:$0xd];
	[sflag:s20] =	ssyncadd.s32 $0xFFFFC000  }
0x9c: {  	[hbm4b:s0+s2] =	stream.linear.scatter [tilespmem:s14], [sflag:$0xC], $0x4000, $0x38;
	[tilespmem:$0x18400] =	vst v63  }
0x9d: {  	_ =	swait.ge [sflag:s11], $0x4000  }
0x9e: {  	[sflag:s11] =	ssyncset.done $0x0  }
0x9f: {  	s0 =	rddreg [dreg:$0xe];
	[sflag:s11] =	ssyncadd.s32 $0xFFFFC000  }
0xa0: {  	[hbm4b:s0+s2] =	stream.linear.scatter [tilespmem:s8], [sflag:$0x7], $0x4000, $0x38;
	[tilespmem:$0x18400] =	vst v63  }
0xa1: {  	_ =	swait.ge [sflag:s9], $0x4000  }
0xa2: {  	[sflag:s9] =	ssyncset.done $0x0  }
0xa3: {  	s0 =	rddreg [dreg:$0xf];
	[sflag:s9] =	ssyncadd.s32 $0xFFFFC000  }
0xa4: {  	[hbm4b:s0+s2] =	stream.linear.scatter [tilespmem:s7], [sflag:$0x8], $0x4000, $0x38;
	[tilespmem:$0x18400] =	vst v63  }
0xa5: {  	_ =	swait.ge [sflag:s15], $0x4000  }
0xa6: {  	[sflag:s15] =	ssyncset.done $0x0  }
0xa7: {  	[sflag:s15] =	ssyncadd.s32 $0xFFFFC000  }
0xa8: {  	_ =	swait.ge [sflag:s13], $0x4000  }
0xa9: {  	[sflag:s13] =	ssyncset.done $0x0  }
0xaa: {  	[sflag:s13] =	ssyncadd.s32 $0xFFFFC000  }
0xab: {  	_ =	swait.ge [sflag:s12], $0x4000  }
0xac: {  	[sflag:s12] =	ssyncset.done $0x0  }
0xad: {  	[sflag:s12] =	ssyncadd.s32 $0xFFFFC000  }
0xae: {  	_ =	swait.ge [sflag:s10], $0x4000  }
0xaf: {  	[sflag:s10] =	ssyncset.done $0x0  }
0xb0: {  	p1 =	sne.s32 s1, $0x1;
	[sflag:s10] =	ssyncadd.s32 $0xFFFFC000  }
.Ltmp2:
0xb1: {  	_ =	swait.ge [sflag:s4], $0x4000;
	(pc) =	sbr.rel @p1 .LBB2_2-.Ltmp2, $4  }
0xb2: {  	[sflag:s4] =	ssyncset.done $0x0  }
0xb3: {  	[sflag:s4] =	ssyncadd.s32 $0xFFFFC000  }
0xb4: {  	_ =	swait.ge [sflag:s5], $0x4000  }
0xb5: {  	s1 =	sadd.s32 $0xFFFFFFFF, s1;
	s0 =	rddreg [dreg:$0x6];
	[sflag:s5] =	ssyncset.done $0x0  }
.LBB2_3:
0xb6: {  	[sflag:s5] =	ssyncadd.s32 @p0 $0xFFFFC000  }
0xb7: {  	[tilespmem:s2], [sflag:$0xD] =	stream.linear.gather [hbm4b:s0+s2], $0x200, $0x38;
	[tilespmem:$0x18400] =	vst v63  }
0xb8: {  	_ =	swait.ge [sflag:s28], $0x200  }
0xb9: {  	[sflag:s28] =	ssyncset.done $0x0  }
0xba: {  	s1 =	rddreg [dreg:$0x7];
	[sflag:s28] =	ssyncadd.s32 $0xFFFFFE00  }
0xbb: {  	[tilespmem:s25], [sflag:$0xD] =	stream.linear.gather [hbm4b:s1+s2], $0x200, $0x38;
	[tilespmem:$0x18400] =	vst v63  }
0xbc: {  	_ =	swait.ge [sflag:s28], $0x200  }
0xbd: {  	[sflag:s28] =	ssyncset.done $0x0  }
0xbe: {  	[sflag:s28] =	ssyncadd.s32 $0xFFFFFE00  }
0xbf: {  	[tilespmem:s8], [sflag:$0x1] =	stream.indirect.gather [hbm4b:s6+s19], $0x80, s2, s19, $0xb8;
	[tilespmem:$0x18400] =	vst v63  }
0xc0: {  	_ = 	snop  }
0xc1: {  	[tilespmem:s7], [sflag:$0x2] =	stream.indirect.gather [hbm4b:s6+s19], $0x80, s19, s19, $0xb8;
	[tilespmem:$0x18400] =	vst v63  }
0xc2: {  	_ = 	snop  }
0xc3: {  	[tilespmem:s18], [sflag:$0x3] =	stream.indirect.gather [hbm4b:s6+s19], $0x80, s29, s19, $0xb8;
	[tilespmem:$0x18400] =	vst v63  }
0xc4: {  	_ = 	snop  }
0xc5: {  	[tilespmem:s17], [sflag:$0x4] =	stream.indirect.gather [hbm4b:s6+s19], $0x80, s30, s19, $0xb8;
	[tilespmem:$0x18400] =	vst v63  }
0xc6: {  	_ = 	snop  }
0xc7: {  	[tilespmem:s16], [sflag:$0x5] =	stream.indirect.gather [hbm4b:s3+s19], $0x80, s25, s19, $0xb8;
	[tilespmem:$0x18400] =	vst v63  }
0xc8: {  	_ = 	snop  }
0xc9: {  	[tilespmem:s14], [sflag:$0x6] =	stream.indirect.gather [hbm4b:s3+s19], $0x80, s31, s19, $0xb8;
	[tilespmem:$0x18400] =	vst v63  }
0xca: {  	_ =	swait.ge [sflag:s11], $0x4000  }
0xcb: {  	[sflag:s11] =	ssyncset.done $0x0  }
0xcc: {  	s1 =	rddreg [dreg:$0x8];
	[sflag:s11] =	ssyncadd.s32 $0xFFFFC000  }
0xcd: {  	[hbm4b:s1+s2] =	stream.linear.scatter [tilespmem:s8], [sflag:$0x7], $0x4000, $0x38;
	[tilespmem:$0x18400] =	vst v63  }
0xce: {  	_ =	swait.ge [sflag:s4], $0x4000  }
0xcf: {  	[sflag:s4] =	ssyncset.done $0x0  }
0xd0: {  	[sflag:s4] =	ssyncadd.s32 $0xFFFFC000  }
0xd1: {  	[tilespmem:s8], [sflag:$0x1] =	stream.indirect.gather [hbm4b:s3+s19], $0x80, s26, s19, $0xb8;
	[tilespmem:$0x18400] =	vst v63  }
0xd2: {  	_ =	swait.ge [sflag:s9], $0x4000  }
0xd3: {  	[sflag:s9] =	ssyncset.done $0x0  }
0xd4: {  	s6 =	rddreg [dreg:$0x9];
	[sflag:s9] =	ssyncadd.s32 $0xFFFFC000  }
0xd5: {  	[hbm4b:s6+s2] =	stream.linear.scatter [tilespmem:s7], [sflag:$0x8], $0x4000, $0x38;
	[tilespmem:$0x18400] =	vst v63  }
0xd6: {  	_ =	swait.ge [sflag:s5], $0x4000  }
0xd7: {  	[sflag:s5] =	ssyncset.done $0x0  }
0xd8: {  	[sflag:s5] =	ssyncadd.s32 $0xFFFFC000  }
0xd9: {  	[tilespmem:s7], [sflag:$0x2] =	stream.indirect.gather [hbm4b:s3+s19], $0x80, s24, s19, $0xb8;
	[tilespmem:$0x18400] =	vst v63  }
0xda: {  	_ =	swait.ge [sflag:s23], $0x4000  }
0xdb: {  	[sflag:s23] =	ssyncset.done $0x0  }
0xdc: {  	s24 =	rddreg [dreg:$0xa];
	[sflag:s23] =	ssyncadd.s32 $0xFFFFC000  }
0xdd: {  	[hbm4b:s24+s2] =	stream.linear.scatter [tilespmem:s18], [sflag:$0x9], $0x4000, $0x38;
	[tilespmem:$0x18400] =	vst v63  }
0xde: {  	_ =	swait.ge [sflag:s22], $0x4000  }
0xdf: {  	[sflag:s22] =	ssyncset.done $0x0  }
0xe0: {  	s25 =	rddreg [dreg:$0xb];
	[sflag:s22] =	ssyncadd.s32 $0xFFFFC000  }
0xe1: {  	[hbm4b:s25+s2] =	stream.linear.scatter [tilespmem:s17], [sflag:$0xA], $0x4000, $0x38;
	[tilespmem:$0x18400] =	vst v63  }
0xe2: {  	_ =	swait.ge [sflag:s21], $0x4000  }
0xe3: {  	[sflag:s21] =	ssyncset.done $0x0  }
0xe4: {  	s26 =	rddreg [dreg:$0xc];
	[sflag:s21] =	ssyncadd.s32 $0xFFFFC000  }
0xe5: {  	[hbm4b:s26+s2] =	stream.linear.scatter [tilespmem:s16], [sflag:$0xB], $0x4000, $0x38;
	[tilespmem:$0x18400] =	vst v63  }
0xe6: {  	_ =	swait.ge [sflag:s20], $0x4000  }
0xe7: {  	[sflag:s20] =	ssyncset.done $0x0  }
0xe8: {  	s28 =	rddreg [dreg:$0xd];
	[sflag:s20] =	ssyncadd.s32 $0xFFFFC000  }
0xe9: {  	[hbm4b:s28+s2] =	stream.linear.scatter [tilespmem:s14], [sflag:$0xC], $0x4000, $0x38;
	[tilespmem:$0x18400] =	vst v63  }
0xea: {  	_ =	swait.ge [sflag:s11], $0x4000  }
0xeb: {  	[sflag:s11] =	ssyncset.done $0x0  }
0xec: {  	s29 =	rddreg [dreg:$0xe];
	[sflag:s11] =	ssyncadd.s32 $0xFFFFC000  }
0xed: {  	[hbm4b:s29+s2] =	stream.linear.scatter [tilespmem:s8], [sflag:$0x7], $0x4000, $0x38;
	[tilespmem:$0x18400] =	vst v63  }
0xee: {  	_ =	swait.ge [sflag:s9], $0x4000  }
0xef: {  	[sflag:s9] =	ssyncset.done $0x0  }
0xf0: {  	s30 =	rddreg [dreg:$0xf];
	[sflag:s9] =	ssyncadd.s32 $0xFFFFC000  }
0xf1: {  	[hbm4b:s30+s2] =	stream.linear.scatter [tilespmem:s7], [sflag:$0x8], $0x4000, $0x38;
	[tilespmem:$0x18400] =	vst v63  }
0xf2: {  	_ =	swait.ge [sflag:s15], $0x4000  }
0xf3: {  	[sflag:s15] =	ssyncset.done $0x0  }
0xf4: {  	[sflag:s15] =	ssyncadd.s32 $0xFFFFC000  }
0xf5: {  	_ =	swait.ge [sflag:s13], $0x4000  }
0xf6: {  	[sflag:s13] =	ssyncset.done $0x0  }
0xf7: {  	[sflag:s13] =	ssyncadd.s32 $0xFFFFC000  }
0xf8: {  	_ =	swait.ge [sflag:s12], $0x4000  }
0xf9: {  	[sflag:s12] =	ssyncset.done $0x0  }
0xfa: {  	[sflag:s12] =	ssyncadd.s32 $0xFFFFC000  }
0xfb: {  	_ =	swait.ge [sflag:s10], $0x4000  }
0xfc: {  	[sflag:s10] =	ssyncset.done $0x0  }
0xfd: {  	[sflag:s10] =	ssyncadd.s32 $0xFFFFC000  }
0xfe: {  	_ =	swait.ge [sflag:s4], $0x4000  }
0xff: {  	[sflag:s4] =	ssyncset.done $0x0  }
0x100: {  	[sflag:s4] =	ssyncadd.s32 $0xFFFFC000  }
0x101: {  	_ =	swait.ge [sflag:s5], $0x4000  }
0x102: {  	[sflag:s5] =	ssyncset.done $0x0  }
0x103: {  	[sflag:s5] =	ssyncadd.s32 $0xFFFFC000  }
0x104: {  	_ =	sfence.sel $0x180000  }
0x105: {  	[bflag:$0x0] =	sbarrier.arrive $0xFFFF  }
0x106: {  	_ =	strace $0x90000047  }
0x107: {  	s31 =	stileid.u32;
	[bflag:$0x2] =	sbarrier.arrive $0xFFFF  }
0x108: {  	p0 =	sne.s32 s31, $0x0;
	s0 =	rddreg [dreg:$0x5]  }
0x109: {  	s0 =	sadd.s32 @!p0 $0x100000, s0  }
0x10a: {  	[sflag:s0] =	ssyncadd.tile.s32 @!p0 $0x1;
	_ =	shalt  }
.Lfunc_end2:
_tile_overlayer_lowered:
.L_overlay_start_2:
0x10b: {  	(tag) =	ssettag $0x2  }
0x10c: {  	s0 =	rddreg [dreg:$0x0];
	s2 =	stileid.u32  }
0x10d: {  	s1 =	rddreg [dreg:$0x1];
	p0 =	sne.s32 s2, $0x0  }
0x10e: {  	s3 =	rddreg [dreg:$0x2];
	[bflag:$0x3] =	sbarrier.arrive $0xFFFF;
	s2 =	simm.s32 @!p0 $0x1C0D  }
0x10f: {  	[timem:s3], [sflag:s2] =	dma.local @!p0 [hbm:s0], s1  }
0x110: {  	s0 =	simm.s32 @!p0 $0xD  }
0x111: {  	_ =	swait.ge @!p0 [sflag:s0], s1  }
0x112: {  	s1 =	ssub.s32 @!p0 $0x0, s1;
	[sflag:s0] =	ssyncset.done @!p0 $0x0  }
0x113: {  	[sflag:s0] =	ssyncadd.s32 @!p0 s1  }
0x114: {  	[bflag:$0x3] =	sbarrier.arrive $0xFFFF  }
0x115: {  	_ =	shalt  }

</sc_bundles>
